<compile_context>
chip_gen: v7x
topology: tpu7x:2x2x1
jax: 0.10.2.dev20260603
libtpu: 0.0.44.dev20260713+nightly
codegen_flags: <defaults>
</compile_context>

<pallas_src>
import functools

import jax
import jax.numpy as jnp
from jax import lax
from jax.experimental import pallas as pl
from jax.experimental.pallas import tpu as pltpu
from jax.experimental.pallas import tpu_sc as plsc

B, D, H, E, G, K = 2048, 1024, 1024, 8, 64, 2
H2 = H // 2

TB = 512
NB = B // TB
T = 256
NT = (B * K) // T + E
S_PAD = NT * T
NW = 32
BPW = B // NW


def _gating_body(x_ref, wg1_ref, bg1_ref, wg2_ref, bg2_ref,
                 gates_ref, g1_ref, g2_ref, pos1_ref, pos2_ref,
                 texp_ref, tval_ref,
                 carry_ref, sel1_s, sel2_s, r1_s, r2_s):
    i = pl.program_id(0)

    @pl.when(i == 0)
    def _():
        carry_ref[...] = jnp.zeros((1, E), jnp.float32)

    @pl.when(i < NB)
    def _():
        x = x_ref[...]
        h = jnp.maximum(
            jnp.dot(x, wg1_ref[...], preferred_element_type=jnp.float32)
            + bg1_ref[...], 0.0)
        logits = (jnp.dot(h, wg2_ref[...], preferred_element_type=jnp.float32)
                  + bg2_ref[...])
        m = jnp.max(logits, axis=-1, keepdims=True)
        p = jnp.exp(logits - m)
        gates = p / jnp.sum(p, axis=-1, keepdims=True)

        eidx = lax.broadcasted_iota(jnp.int32, (TB, E), 1)
        m1 = jnp.max(gates, axis=-1, keepdims=True)
        i1 = jnp.min(jnp.where(gates == m1, eidx, E), axis=-1, keepdims=True)
        sel1 = eidx == i1
        g_wo1 = jnp.where(sel1, -1.0, gates)
        m2 = jnp.max(g_wo1, axis=-1, keepdims=True)
        i2 = jnp.min(jnp.where(g_wo1 == m2, eidx, E), axis=-1, keepdims=True)
        sel2 = eidx == i2
        keep = sel1 | sel2
        gk = jnp.where(keep, gates, 0.0)
        gates_ref[...] = gk / (jnp.sum(gk, axis=-1, keepdims=True) + 1e-10)

        denom = m1 + m2 + 1e-10
        g1_ref[...] = (m1 / denom).reshape(TB)
        g2_ref[...] = (m2 / denom).reshape(TB)
        sel1_s[pl.ds(i * TB, TB), :] = sel1.astype(jnp.float32)
        sel2_s[pl.ds(i * TB, TB), :] = sel2.astype(jnp.float32)

        maskf = keep.astype(jnp.float32)
        ri = lax.broadcasted_iota(jnp.int32, (TB, TB), 0)
        ci = lax.broadcasted_iota(jnp.int32, (TB, TB), 1)
        ltri = (ri > ci).astype(jnp.float32)
        rank_in = jnp.dot(ltri, maskf,
                          preferred_element_type=jnp.float32)
        rank = rank_in + carry_ref[...]
        r1_s[pl.ds(i * TB, TB)] = jnp.sum(jnp.where(sel1, rank, 0.0), axis=-1)
        r2_s[pl.ds(i * TB, TB)] = jnp.sum(jnp.where(sel2, rank, 0.0), axis=-1)
        carry_ref[...] = carry_ref[...] + jnp.sum(maskf, axis=0, keepdims=True)

    @pl.when(i == NB)
    def _():
        cnt = carry_ref[...]
        ntiles = jnp.floor((cnt + (T - 1)) * (1.0 / T))
        ei = lax.broadcasted_iota(jnp.int32, (E, E), 0)
        ej = lax.broadcasted_iota(jnp.int32, (E, E), 1)
        u_lt = (ei < ej).astype(jnp.float32)
        u_le = (ei <= ej).astype(jnp.float32)
        cum_ex = jnp.dot(ntiles, u_lt, preferred_element_type=jnp.float32)
        cum_in = jnp.dot(ntiles, u_le, preferred_element_type=jnp.float32)
        slotbase = cum_ex * T

        trows = lax.broadcasted_iota(jnp.int32, (NT + 8, E), 0)
        acc = jnp.sum((trows >= cum_in.astype(jnp.int32)).astype(jnp.int32),
                      axis=-1)
        texp_ref[...] = jnp.minimum(acc, E - 1)
        tval_ref[...] = (acc < E).astype(jnp.int32)

        p1 = jnp.sum(sel1_s[...] * slotbase, axis=-1) + r1_s[...]
        p2 = jnp.sum(sel2_s[...] * slotbase, axis=-1) + r2_s[...]
        pos1_ref[...] = p1.astype(jnp.int32)
        pos2_ref[...] = p2.astype(jnp.int32)


def _run_gating(x, wg1, bg1, wg2, bg2, *, interpret=False):
    out_shapes = (
        jax.ShapeDtypeStruct((B, E), jnp.float32),
        jax.ShapeDtypeStruct((B,), jnp.float32),
        jax.ShapeDtypeStruct((B,), jnp.float32),
        jax.ShapeDtypeStruct((B,), jnp.int32),
        jax.ShapeDtypeStruct((B,), jnp.int32),
        jax.ShapeDtypeStruct((NT + 8,), jnp.int32),
        jax.ShapeDtypeStruct((NT + 8,), jnp.int32),
    )
    blk = lambda i: (jnp.minimum(i, NB - 1), 0)
    blk1 = lambda i: (jnp.minimum(i, NB - 1),)
    return pl.pallas_call(
        _gating_body,
        grid=(NB + 1,),
        in_specs=[
            pl.BlockSpec((TB, D), blk),
            pl.BlockSpec((D, G), lambda i: (0, 0)),
            pl.BlockSpec((1, G), lambda i: (0, 0)),
            pl.BlockSpec((G, E), lambda i: (0, 0)),
            pl.BlockSpec((1, E), lambda i: (0, 0)),
        ],
        out_specs=(
            pl.BlockSpec((TB, E), blk),
            pl.BlockSpec((TB,), blk1),
            pl.BlockSpec((TB,), blk1),
            pl.BlockSpec((B,), lambda i: (0,)),
            pl.BlockSpec((B,), lambda i: (0,)),
            pl.BlockSpec((NT + 8,), lambda i: (0,)),
            pl.BlockSpec((NT + 8,), lambda i: (0,)),
        ),
        out_shape=out_shapes,
        scratch_shapes=[
            pltpu.VMEM((1, E), jnp.float32),
            pltpu.VMEM((B, E), jnp.float32),
            pltpu.VMEM((B, E), jnp.float32),
            pltpu.VMEM((B,), jnp.float32),
            pltpu.VMEM((B,), jnp.float32),
        ],
        interpret=interpret,
    )(x, wg1, bg1.reshape(1, G), wg2, bg2.reshape(1, E))


def _dispatch_body(pos1_hbm, pos2_hbm, x_hbm, xd_hbm,
                   idx1_v, idx2_v, x_v, sem1, sem2):
    wid = lax.axis_index("c") * 16 + lax.axis_index("s")
    base = wid * BPW
    pltpu.sync_copy(pos1_hbm.at[pl.ds(base, BPW)], idx1_v)
    pltpu.sync_copy(pos2_hbm.at[pl.ds(base, BPW)], idx2_v)
    pltpu.sync_copy(x_hbm.at[pl.ds(base, BPW)], x_v)
    c1 = pltpu.async_copy(x_v, xd_hbm.at[idx1_v], sem1)
    c2 = pltpu.async_copy(x_v, xd_hbm.at[idx2_v], sem2)
    c1.wait()
    c2.wait()


def _run_dispatch(pos1, pos2, x):
    mesh = plsc.VectorSubcoreMesh(core_axis_name="c", subcore_axis_name="s")
    f = pl.kernel(
        _dispatch_body,
        out_type=jax.ShapeDtypeStruct((S_PAD, D), jnp.float32),
        mesh=mesh,
        scratch_types=(
            pltpu.VMEM((BPW,), jnp.int32),
            pltpu.VMEM((BPW,), jnp.int32),
            pltpu.VMEM((BPW, D), jnp.float32),
            pltpu.SemaphoreType.DMA,
            pltpu.SemaphoreType.DMA,
        ),
    )
    return f(pos1, pos2, x)


def _expert_body(texp_ref, tval_ref, xd_ref, w1_ref, b1_ref, w2_ref, b2_ref,
                 w3t_ref, b3_ref, out_ref):
    i = pl.program_id(0)

    @pl.when(tval_ref[i] == 1)
    def _():
        e = texp_ref[i]
        x = xd_ref[...]
        h1 = jnp.maximum(
            jnp.dot(x, w1_ref[0], preferred_element_type=jnp.float32)
            + b1_ref[0], 0.0)
        h2 = jnp.maximum(
            jnp.dot(h1, w2_ref[0], preferred_element_type=jnp.float32)
            + b2_ref[0], 0.0)
        z8 = jnp.dot(h2, w3t_ref[...], preferred_element_type=jnp.float32)
        eidx = lax.broadcasted_iota(jnp.int32, (T, E), 1)
        z = jnp.sum(jnp.where(eidx == e, z8, 0.0), axis=-1) + b3_ref[e]
        out_ref[...] = 1.0 / (1.0 + jnp.exp(-z))


def _run_experts(texp, tval, xd, w1, b1, w2, b2, w3, b3, *, interpret=False):
    grid_spec = pltpu.PrefetchScalarGridSpec(
        num_scalar_prefetch=2,
        grid=(NT,),
        in_specs=[
            pl.BlockSpec((T, D),
                         lambda i, te, tv: (jnp.where(tv[i] == 1, i, 0), 0)),
            pl.BlockSpec((1, D, H), lambda i, te, tv: (te[i], 0, 0)),
            pl.BlockSpec((1, 1, H), lambda i, te, tv: (te[i], 0, 0)),
            pl.BlockSpec((1, H, H2), lambda i, te, tv: (te[i], 0, 0)),
            pl.BlockSpec((1, 1, H2), lambda i, te, tv: (te[i], 0, 0)),
            pl.BlockSpec((H2, E), lambda i, te, tv: (0, 0)),
            pl.BlockSpec(memory_space=pltpu.SMEM),
        ],
        out_specs=pl.BlockSpec((T,), lambda i, te, tv: (i,)),
    )
    return pl.pallas_call(
        _expert_body,
        grid_spec=grid_spec,
        out_shape=jax.ShapeDtypeStruct((S_PAD,), jnp.float32),
        interpret=interpret,
    )(texp, tval, xd, w1, b1.reshape(E, 1, H), w2, b2.reshape(E, 1, H2),
      w3.reshape(E, H2).T, b3.reshape(E))


def _combine_body(o_hbm, pos1_hbm, pos2_hbm, g1_hbm, g2_hbm, pred_hbm,
                  p1_v, p2_v, o1_v, o2_v, g1_v, g2_v, out_v, sem1, sem2):
    wid = lax.axis_index("c") * 16 + lax.axis_index("s")
    base = wid * BPW
    pltpu.sync_copy(pos1_hbm.at[pl.ds(base, BPW)], p1_v)
    pltpu.sync_copy(pos2_hbm.at[pl.ds(base, BPW)], p2_v)
    pltpu.sync_copy(g1_hbm.at[pl.ds(base, BPW)], g1_v)
    pltpu.sync_copy(g2_hbm.at[pl.ds(base, BPW)], g2_v)
    c1 = pltpu.async_copy(o_hbm.at[p1_v], o1_v, sem1)
    c2 = pltpu.async_copy(o_hbm.at[p2_v], o2_v, sem2)
    c1.wait()
    c2.wait()
    for g in range(BPW // 16):
        sl = pl.ds(16 * g, 16)
        out_v[sl] = g1_v[sl] * o1_v[sl] + g2_v[sl] * o2_v[sl]
    pltpu.sync_copy(out_v, pred_hbm.at[pl.ds(base, BPW)])


def _run_combine(o_slots, pos1, pos2, g1, g2):
    mesh = plsc.VectorSubcoreMesh(core_axis_name="c", subcore_axis_name="s")
    f = pl.kernel(
        _combine_body,
        out_type=jax.ShapeDtypeStruct((B,), jnp.float32),
        mesh=mesh,
        scratch_types=(
            pltpu.VMEM((BPW,), jnp.int32),
            pltpu.VMEM((BPW,), jnp.int32),
            pltpu.VMEM((BPW,), jnp.float32),
            pltpu.VMEM((BPW,), jnp.float32),
            pltpu.VMEM((BPW,), jnp.float32),
            pltpu.VMEM((BPW,), jnp.float32),
            pltpu.VMEM((BPW,), jnp.float32),
            pltpu.SemaphoreType.DMA,
            pltpu.SemaphoreType.DMA,
        ),
    )
    return f(o_slots, pos1, pos2, g1, g2)


def kernel(inputs, Wg1, bg1, Wg2, bg2, W1, b1, W2, b2, W3, b3):
    gates, g1, g2, pos1, pos2, texp, tval = _run_gating(
        inputs, Wg1, bg1, Wg2, bg2)
    xd = _run_dispatch(pos1, pos2, inputs)
    o_slots = _run_experts(texp, tval, xd, W1, b1, W2, b2, W3, b3)
    pred = _run_combine(o_slots, pos1, pos2, g1, g2)
    return pred.reshape(B, 1), gates

# --- scband reference (transcript-rebuilt; emitter-appended) ---
"""Pipeline reference for scband-mixture-of-experts-76020921139217 (READ-ONLY COPY).

The authoritative reference and input builder live on the scoring server;
editing this copy changes nothing except your own understanding.
"""

import jax, jax.numpy as jnp
import numpy as np

B, D, H, E, G, K = 2048, 1024, 1024, 8, 64, 2
H2 = H // 2


def setup_inputs(seed: int = 0) -> dict:
    key = jax.random.key(seed)
    ks = jax.random.split(key, 12)
    x = jax.random.normal(ks[0], (B, D), dtype=jnp.float32)
    # gating network params (Dense(G, relu) -> Dense(E, softmax))
    Wg1 = jax.random.normal(ks[1], (D, G), dtype=jnp.float32) * 0.02
    bg1 = jnp.zeros((G,), dtype=jnp.float32)
    Wg2 = jax.random.normal(ks[2], (G, E), dtype=jnp.float32) * 0.02
    bg2 = jnp.zeros((E,), dtype=jnp.float32)
    # stacked expert params: fc1 (D->H), fc2 (H->H//2), fc3 (H//2->1)
    W1 = jax.random.normal(ks[3], (E, D, H), dtype=jnp.float32) * 0.02
    b1 = jnp.zeros((E, H), dtype=jnp.float32)
    W2 = jax.random.normal(ks[4], (E, H, H2), dtype=jnp.float32) * 0.02
    b2 = jnp.zeros((E, H2), dtype=jnp.float32)
    W3 = jax.random.normal(ks[5], (E, H2, 1), dtype=jnp.float32) * 0.02
    b3 = jnp.zeros((E, 1), dtype=jnp.float32)
    return {"inputs": x, "Wg1": Wg1, "bg1": bg1, "Wg2": Wg2, "bg2": bg2,
            "W1": W1, "b1": b1, "W2": W2, "b2": b2, "W3": W3, "b3": b3}


def reference(inputs, Wg1, bg1, Wg2, bg2, W1, b1, W2, b2, W3, b3):
    x = inputs
    # gating network (use_provided_gates=False path)
    hg = jax.nn.relu(x @ Wg1 + bg1)
    gates = jax.nn.softmax(hg @ Wg2 + bg2, axis=-1)
    # top-k masking + renormalization (top_k=2 < num_experts=8)
    _, topk_idx = jax.lax.top_k(gates, K)
    mask = jnp.sum(jax.nn.one_hot(topk_idx, E, dtype=gates.dtype), axis=1)
    gates = gates * mask
    gates = gates / (jnp.sum(gates, axis=-1, keepdims=True) + 1e-10)
    # expert computation; dense form is mathematically identical to the
    # SparseDispatcher dispatch/combine since zero gates contribute nothing.
    h1 = jax.nn.relu(jnp.einsum('bd,edh->ebh', x, W1) + b1[:, None, :])
    h2 = jax.nn.relu(jnp.einsum('ebh,ehk->ebk', h1, W2) + b2[:, None, :])
    eo = jax.nn.sigmoid(jnp.einsum('ebk,eko->ebo', h2, W3) + b3[:, None, :])
    prediction = jnp.einsum('ebo,be->bo', eo, gates)
    return (prediction, gates)

if __name__ == "__main__":
    import jax
    _d = setup_inputs()
    print(jax.jit(kernel)(*tuple(_d.values())))

</pallas_src>

<mosaic_0001>
#map = affine_map<(d0, d1) -> (0)>
module attributes {stable_mosaic.version = 14 : i64} {
  func.func @_combine_body(%arg0: i32, %arg1: i32, %arg2: memref<6144xf32, #tpu.memory_space<hbm>>, %arg3: memref<2048xi32, #tpu.memory_space<hbm>>, %arg4: memref<2048xi32, #tpu.memory_space<hbm>>, %arg5: memref<2048xf32, #tpu.memory_space<hbm>>, %arg6: memref<2048xf32, #tpu.memory_space<hbm>>, %arg7: memref<2048xf32, #tpu.memory_space<hbm>>, %arg8: memref<64xi32, #tpu.memory_space<vmem>>, %arg9: memref<64xi32, #tpu.memory_space<vmem>>, %arg10: memref<64xf32, #tpu.memory_space<vmem>>, %arg11: memref<64xf32, #tpu.memory_space<vmem>>, %arg12: memref<64xf32, #tpu.memory_space<vmem>>, %arg13: memref<64xf32, #tpu.memory_space<vmem>>, %arg14: memref<64xf32, #tpu.memory_space<vmem>>, %arg15: memref<!tpu.dma_semaphore, #tpu.memory_space<semaphore_mem>>, %arg16: memref<!tpu.dma_semaphore, #tpu.memory_space<semaphore_mem>>) attributes {dimension_semantics = [#tpu.dimension_semantics<core_parallel>, #tpu.dimension_semantics<subcore_parallel>], iteration_bounds = array<i64: 2, 16>, scalar_prefetch = 0 : i64, scratch_operands = 9 : i64, tpu.core_type = #tpu.core_type<sc_vector_subcore>, window_params = [{transform_indices = #map}, {transform_indices = #map}, {transform_indices = #map}, {transform_indices = #map}, {transform_indices = #map}, {transform_indices = #map}]} {
    %mul3A = arith.constant 16 : i32
    %mul3A_0 = arith.muli %arg0, %mul3A : i32
    %add3A = arith.addi %mul3A_0, %arg1 : i32
    %mul3A_1 = arith.constant 64 : i32
    %mul3A_2 = arith.muli %add3A, %mul3A_1 : i32
    "tpu.region"() ({
      %run_scoped3A = tpu.sem_alloc : memref<!tpu.dma_semaphore, #tpu.memory_space<semaphore_mem>>
      %dma_start3A_83 = tpu.memref_slice %arg3[%mul3A_2] : memref<2048xi32, #tpu.memory_space<hbm>> -> memref<64xi32, #tpu.memory_space<hbm>>
      %dma_start3A_84 = tpu.memref_slice %arg3[%mul3A_2] : memref<2048xi32, #tpu.memory_space<hbm>> -> memref<64xi32, #tpu.memory_space<hbm>>
      tpu.enqueue_dma source(%dma_start3A_84 : memref<64xi32, #tpu.memory_space<hbm>>) target(%arg8 : memref<64xi32, #tpu.memory_space<vmem>>) target_semaphore(%run_scoped3A : memref<!tpu.dma_semaphore, #tpu.memory_space<semaphore_mem>>)
      %dma_wait3A_85 = tpu.memref_slice %arg3[%mul3A_2] : memref<2048xi32, #tpu.memory_space<hbm>> -> memref<64xi32, #tpu.memory_space<hbm>>
      %dma_wait3A_86 = tpu.memref_slice %arg3[%mul3A_2] : memref<2048xi32, #tpu.memory_space<hbm>> -> memref<64xi32, #tpu.memory_space<hbm>>
      tpu.wait_dma2 semaphore(%run_scoped3A : memref<!tpu.dma_semaphore, #tpu.memory_space<semaphore_mem>>) src(%dma_wait3A_86 : memref<64xi32, #tpu.memory_space<hbm>>) dst(%arg8 : memref<64xi32, #tpu.memory_space<vmem>>)
      tpu.yield
    }) : () -> ()
    "tpu.region"() ({
      %run_scoped3A = tpu.sem_alloc : memref<!tpu.dma_semaphore, #tpu.memory_space<semaphore_mem>>
      %dma_start3A_83 = tpu.memref_slice %arg4[%mul3A_2] : memref<2048xi32, #tpu.memory_space<hbm>> -> memref<64xi32, #tpu.memory_space<hbm>>
      %dma_start3A_84 = tpu.memref_slice %arg4[%mul3A_2] : memref<2048xi32, #tpu.memory_space<hbm>> -> memref<64xi32, #tpu.memory_space<hbm>>
      tpu.enqueue_dma source(%dma_start3A_84 : memref<64xi32, #tpu.memory_space<hbm>>) target(%arg9 : memref<64xi32, #tpu.memory_space<vmem>>) target_semaphore(%run_scoped3A : memref<!tpu.dma_semaphore, #tpu.memory_space<semaphore_mem>>)
      %dma_wait3A_85 = tpu.memref_slice %arg4[%mul3A_2] : memref<2048xi32, #tpu.memory_space<hbm>> -> memref<64xi32, #tpu.memory_space<hbm>>
      %dma_wait3A_86 = tpu.memref_slice %arg4[%mul3A_2] : memref<2048xi32, #tpu.memory_space<hbm>> -> memref<64xi32, #tpu.memory_space<hbm>>
      tpu.wait_dma2 semaphore(%run_scoped3A : memref<!tpu.dma_semaphore, #tpu.memory_space<semaphore_mem>>) src(%dma_wait3A_86 : memref<64xi32, #tpu.memory_space<hbm>>) dst(%arg9 : memref<64xi32, #tpu.memory_space<vmem>>)
      tpu.yield
    }) : () -> ()
    "tpu.region"() ({
      %run_scoped3A = tpu.sem_alloc : memref<!tpu.dma_semaphore, #tpu.memory_space<semaphore_mem>>
      %dma_start3A_83 = tpu.memref_slice %arg5[%mul3A_2] : memref<2048xf32, #tpu.memory_space<hbm>> -> memref<64xf32, #tpu.memory_space<hbm>>
      %dma_start3A_84 = tpu.memref_slice %arg5[%mul3A_2] : memref<2048xf32, #tpu.memory_space<hbm>> -> memref<64xf32, #tpu.memory_space<hbm>>
      tpu.enqueue_dma source(%dma_start3A_84 : memref<64xf32, #tpu.memory_space<hbm>>) target(%arg12 : memref<64xf32, #tpu.memory_space<vmem>>) target_semaphore(%run_scoped3A : memref<!tpu.dma_semaphore, #tpu.memory_space<semaphore_mem>>)
      %dma_wait3A_85 = tpu.memref_slice %arg5[%mul3A_2] : memref<2048xf32, #tpu.memory_space<hbm>> -> memref<64xf32, #tpu.memory_space<hbm>>
      %dma_wait3A_86 = tpu.memref_slice %arg5[%mul3A_2] : memref<2048xf32, #tpu.memory_space<hbm>> -> memref<64xf32, #tpu.memory_space<hbm>>
      tpu.wait_dma2 semaphore(%run_scoped3A : memref<!tpu.dma_semaphore, #tpu.memory_space<semaphore_mem>>) src(%dma_wait3A_86 : memref<64xf32, #tpu.memory_space<hbm>>) dst(%arg12 : memref<64xf32, #tpu.memory_space<vmem>>)
      tpu.yield
    }) : () -> ()
    "tpu.region"() ({
      %run_scoped3A = tpu.sem_alloc : memref<!tpu.dma_semaphore, #tpu.memory_space<semaphore_mem>>
      %dma_start3A_83 = tpu.memref_slice %arg6[%mul3A_2] : memref<2048xf32, #tpu.memory_space<hbm>> -> memref<64xf32, #tpu.memory_space<hbm>>
      %dma_start3A_84 = tpu.memref_slice %arg6[%mul3A_2] : memref<2048xf32, #tpu.memory_space<hbm>> -> memref<64xf32, #tpu.memory_space<hbm>>
      tpu.enqueue_dma source(%dma_start3A_84 : memref<64xf32, #tpu.memory_space<hbm>>) target(%arg13 : memref<64xf32, #tpu.memory_space<vmem>>) target_semaphore(%run_scoped3A : memref<!tpu.dma_semaphore, #tpu.memory_space<semaphore_mem>>)
      %dma_wait3A_85 = tpu.memref_slice %arg6[%mul3A_2] : memref<2048xf32, #tpu.memory_space<hbm>> -> memref<64xf32, #tpu.memory_space<hbm>>
      %dma_wait3A_86 = tpu.memref_slice %arg6[%mul3A_2] : memref<2048xf32, #tpu.memory_space<hbm>> -> memref<64xf32, #tpu.memory_space<hbm>>
      tpu.wait_dma2 semaphore(%run_scoped3A : memref<!tpu.dma_semaphore, #tpu.memory_space<semaphore_mem>>) src(%dma_wait3A_86 : memref<64xf32, #tpu.memory_space<hbm>>) dst(%arg13 : memref<64xf32, #tpu.memory_space<vmem>>)
      tpu.yield
    }) : () -> ()
    %dma_start3A = arith.constant 0 : i32
    %dma_start3A_3 = tpu.memref_slice %arg2[%dma_start3A] : memref<6144xf32, #tpu.memory_space<hbm>> -> memref<6144xf32, #tpu.memory_space<hbm>>
    tpu.enqueue_indirect_dma source(%dma_start3A_3 : memref<6144xf32, #tpu.memory_space<hbm>>) target(%arg10 : memref<64xf32, #tpu.memory_space<vmem>>) offsets(%arg8 : memref<64xi32, #tpu.memory_space<vmem>>) semaphore(%arg15 : memref<!tpu.dma_semaphore, #tpu.memory_space<semaphore_mem>>)
    %dma_start3A_4 = arith.constant 0 : i32
    %dma_start3A_5 = tpu.memref_slice %arg2[%dma_start3A_4] : memref<6144xf32, #tpu.memory_space<hbm>> -> memref<6144xf32, #tpu.memory_space<hbm>>
    tpu.enqueue_indirect_dma source(%dma_start3A_5 : memref<6144xf32, #tpu.memory_space<hbm>>) target(%arg11 : memref<64xf32, #tpu.memory_space<vmem>>) offsets(%arg9 : memref<64xi32, #tpu.memory_space<vmem>>) semaphore(%arg16 : memref<!tpu.dma_semaphore, #tpu.memory_space<semaphore_mem>>)
    %dma_wait3A = arith.constant 0 : i32
    %dma_wait3A_6 = tpu.memref_slice %arg2[%dma_wait3A] : memref<6144xf32, #tpu.memory_space<hbm>> -> memref<6144xf32, #tpu.memory_space<hbm>>
    tpu.wait_indirect_dma semaphore(%arg15 : memref<!tpu.dma_semaphore, #tpu.memory_space<semaphore_mem>>) src(%dma_wait3A_6 : memref<6144xf32, #tpu.memory_space<hbm>>) dst(%arg10 : memref<64xf32, #tpu.memory_space<vmem>>)
    %dma_wait3A_7 = arith.constant 0 : i32
    %dma_wait3A_8 = tpu.memref_slice %arg2[%dma_wait3A_7] : memref<6144xf32, #tpu.memory_space<hbm>> -> memref<6144xf32, #tpu.memory_space<hbm>>
    tpu.wait_indirect_dma semaphore(%arg16 : memref<!tpu.dma_semaphore, #tpu.memory_space<semaphore_mem>>) src(%dma_wait3A_8 : memref<6144xf32, #tpu.memory_space<hbm>>) dst(%arg11 : memref<64xf32, #tpu.memory_space<vmem>>)
    %get3A = arith.constant 0 : index
    %get3A_9 = tpu.vector_load %arg12[%get3A] {strides = array<i32>} : memref<64xf32, #tpu.memory_space<vmem>>, vector<16xf32>,
    %get3A_10 = vector.shape_cast %get3A_9 : vector<16xf32> to vector<16xf32>
    %get3A_11 = arith.constant 0 : index
    %get3A_12 = tpu.vector_load %arg10[%get3A_11] {strides = array<i32>} : memref<64xf32, #tpu.memory_space<vmem>>, vector<16xf32>,
    %get3A_13 = vector.shape_cast %get3A_12 : vector<16xf32> to vector<16xf32>
    %mul3A_14 = arith.mulf %get3A_10, %get3A_13 : vector<16xf32>
    %get3A_15 = arith.constant 0 : index
    %get3A_16 = tpu.vector_load %arg13[%get3A_15] {strides = array<i32>} : memref<64xf32, #tpu.memory_space<vmem>>, vector<16xf32>,
    %get3A_17 = vector.shape_cast %get3A_16 : vector<16xf32> to vector<16xf32>
    %get3A_18 = arith.constant 0 : index
    %get3A_19 = tpu.vector_load %arg11[%get3A_18] {strides = array<i32>} : memref<64xf32, #tpu.memory_space<vmem>>, vector<16xf32>,
    %get3A_20 = vector.shape_cast %get3A_19 : vector<16xf32> to vector<16xf32>
    %mul3A_21 = arith.mulf %get3A_17, %get3A_20 : vector<16xf32>
    %add3A_22 = arith.addf %mul3A_14, %mul3A_21 : vector<16xf32>
    %swap3A = arith.constant 0 : index
    %swap3A_23 = tpu.vector_load %arg14[%swap3A] {strides = array<i32>} : memref<64xf32, #tpu.memory_space<vmem>>, vector<16xf32>,
    %swap3A_24 = vector.shape_cast %swap3A_23 : vector<16xf32> to vector<16xf32>
    %swap3A_25 = vector.shape_cast %add3A_22 : vector<16xf32> to vector<16xf32>
    tpu.vector_store %arg14[%swap3A], %swap3A_25 {strides = array<i32>} : memref<64xf32, #tpu.memory_space<vmem>>, vector<16xf32>,
    %get3A_26 = arith.constant 16 : index
    %get3A_27 = tpu.vector_load %arg12[%get3A_26] {strides = array<i32>} : memref<64xf32, #tpu.memory_space<vmem>>, vector<16xf32>,
    %get3A_28 = vector.shape_cast %get3A_27 : vector<16xf32> to vector<16xf32>
    %get3A_29 = arith.constant 16 : index
    %get3A_30 = tpu.vector_load %arg10[%get3A_29] {strides = array<i32>} : memref<64xf32, #tpu.memory_space<vmem>>, vector<16xf32>,
    %get3A_31 = vector.shape_cast %get3A_30 : vector<16xf32> to vector<16xf32>
    %mul3A_32 = arith.mulf %get3A_28, %get3A_31 : vector<16xf32>
    %get3A_33 = arith.constant 16 : index
    %get3A_34 = tpu.vector_load %arg13[%get3A_33] {strides = array<i32>} : memref<64xf32, #tpu.memory_space<vmem>>, vector<16xf32>,
    %get3A_35 = vector.shape_cast %get3A_34 : vector<16xf32> to vector<16xf32>
    %get3A_36 = arith.constant 16 : index
    %get3A_37 = tpu.vector_load %arg11[%get3A_36] {strides = array<i32>} : memref<64xf32, #tpu.memory_space<vmem>>, vector<16xf32>,
    %get3A_38 = vector.shape_cast %get3A_37 : vector<16xf32> to vector<16xf32>
    %mul3A_39 = arith.mulf %get3A_35, %get3A_38 : vector<16xf32>
    %add3A_40 = arith.addf %mul3A_32, %mul3A_39 : vector<16xf32>
    %swap3A_41 = arith.constant 16 : index
    %swap3A_42 = tpu.vector_load %arg14[%swap3A_41] {strides = array<i32>} : memref<64xf32, #tpu.memory_space<vmem>>, vector<16xf32>,
    %swap3A_43 = vector.shape_cast %swap3A_42 : vector<16xf32> to vector<16xf32>
    %swap3A_44 = vector.shape_cast %add3A_40 : vector<16xf32> to vector<16xf32>
    tpu.vector_store %arg14[%swap3A_41], %swap3A_44 {strides = array<i32>} : memref<64xf32, #tpu.memory_space<vmem>>, vector<16xf32>,
    %get3A_45 = arith.constant 32 : index
    %get3A_46 = tpu.vector_load %arg12[%get3A_45] {strides = array<i32>} : memref<64xf32, #tpu.memory_space<vmem>>, vector<16xf32>,
    %get3A_47 = vector.shape_cast %get3A_46 : vector<16xf32> to vector<16xf32>
    %get3A_48 = arith.constant 32 : index
    %get3A_49 = tpu.vector_load %arg10[%get3A_48] {strides = array<i32>} : memref<64xf32, #tpu.memory_space<vmem>>, vector<16xf32>,
    %get3A_50 = vector.shape_cast %get3A_49 : vector<16xf32> to vector<16xf32>
    %mul3A_51 = arith.mulf %get3A_47, %get3A_50 : vector<16xf32>
    %get3A_52 = arith.constant 32 : index
    %get3A_53 = tpu.vector_load %arg13[%get3A_52] {strides = array<i32>} : memref<64xf32, #tpu.memory_space<vmem>>, vector<16xf32>,
    %get3A_54 = vector.shape_cast %get3A_53 : vector<16xf32> to vector<16xf32>
    %get3A_55 = arith.constant 32 : index
    %get3A_56 = tpu.vector_load %arg11[%get3A_55] {strides = array<i32>} : memref<64xf32, #tpu.memory_space<vmem>>, vector<16xf32>,
    %get3A_57 = vector.shape_cast %get3A_56 : vector<16xf32> to vector<16xf32>
    %mul3A_58 = arith.mulf %get3A_54, %get3A_57 : vector<16xf32>
    %add3A_59 = arith.addf %mul3A_51, %mul3A_58 : vector<16xf32>
    %swap3A_60 = arith.constant 32 : index
    %swap3A_61 = tpu.vector_load %arg14[%swap3A_60] {strides = array<i32>} : memref<64xf32, #tpu.memory_space<vmem>>, vector<16xf32>,
    %swap3A_62 = vector.shape_cast %swap3A_61 : vector<16xf32> to vector<16xf32>
    %swap3A_63 = vector.shape_cast %add3A_59 : vector<16xf32> to vector<16xf32>
    tpu.vector_store %arg14[%swap3A_60], %swap3A_63 {strides = array<i32>} : memref<64xf32, #tpu.memory_space<vmem>>, vector<16xf32>,
    %get3A_64 = arith.constant 48 : index
    %get3A_65 = tpu.vector_load %arg12[%get3A_64] {strides = array<i32>} : memref<64xf32, #tpu.memory_space<vmem>>, vector<16xf32>,
    %get3A_66 = vector.shape_cast %get3A_65 : vector<16xf32> to vector<16xf32>
    %get3A_67 = arith.constant 48 : index
    %get3A_68 = tpu.vector_load %arg10[%get3A_67] {strides = array<i32>} : memref<64xf32, #tpu.memory_space<vmem>>, vector<16xf32>,
    %get3A_69 = vector.shape_cast %get3A_68 : vector<16xf32> to vector<16xf32>
    %mul3A_70 = arith.mulf %get3A_66, %get3A_69 : vector<16xf32>
    %get3A_71 = arith.constant 48 : index
    %get3A_72 = tpu.vector_load %arg13[%get3A_71] {strides = array<i32>} : memref<64xf32, #tpu.memory_space<vmem>>, vector<16xf32>,
    %get3A_73 = vector.shape_cast %get3A_72 : vector<16xf32> to vector<16xf32>
    %get3A_74 = arith.constant 48 : index
    %get3A_75 = tpu.vector_load %arg11[%get3A_74] {strides = array<i32>} : memref<64xf32, #tpu.memory_space<vmem>>, vector<16xf32>,
    %get3A_76 = vector.shape_cast %get3A_75 : vector<16xf32> to vector<16xf32>
    %mul3A_77 = arith.mulf %get3A_73, %get3A_76 : vector<16xf32>
    %add3A_78 = arith.addf %mul3A_70, %mul3A_77 : vector<16xf32>
    %swap3A_79 = arith.constant 48 : index
    %swap3A_80 = tpu.vector_load %arg14[%swap3A_79] {strides = array<i32>} : memref<64xf32, #tpu.memory_space<vmem>>, vector<16xf32>,
    %swap3A_81 = vector.shape_cast %swap3A_80 : vector<16xf32> to vector<16xf32>
    %swap3A_82 = vector.shape_cast %add3A_78 : vector<16xf32> to vector<16xf32>
    tpu.vector_store %arg14[%swap3A_79], %swap3A_82 {strides = array<i32>} : memref<64xf32, #tpu.memory_space<vmem>>, vector<16xf32>,
    "tpu.region"() ({
      %run_scoped3A = tpu.sem_alloc : memref<!tpu.dma_semaphore, #tpu.memory_space<semaphore_mem>>
      %dma_start3A_83 = tpu.memref_slice %arg7[%mul3A_2] : memref<2048xf32, #tpu.memory_space<hbm>> -> memref<64xf32, #tpu.memory_space<hbm>>
      %dma_start3A_84 = tpu.memref_slice %arg7[%mul3A_2] : memref<2048xf32, #tpu.memory_space<hbm>> -> memref<64xf32, #tpu.memory_space<hbm>>
      tpu.enqueue_dma source(%arg14 : memref<64xf32, #tpu.memory_space<vmem>>) target(%dma_start3A_84 : memref<64xf32, #tpu.memory_space<hbm>>) target_semaphore(%run_scoped3A : memref<!tpu.dma_semaphore, #tpu.memory_space<semaphore_mem>>)
      %dma_wait3A_85 = tpu.memref_slice %arg7[%mul3A_2] : memref<2048xf32, #tpu.memory_space<hbm>> -> memref<64xf32, #tpu.memory_space<hbm>>
      %dma_wait3A_86 = tpu.memref_slice %arg7[%mul3A_2] : memref<2048xf32, #tpu.memory_space<hbm>> -> memref<64xf32, #tpu.memory_space<hbm>>
      tpu.wait_dma2 semaphore(%run_scoped3A : memref<!tpu.dma_semaphore, #tpu.memory_space<semaphore_mem>>) src(%arg14 : memref<64xf32, #tpu.memory_space<vmem>>) dst(%dma_wait3A_86 : memref<64xf32, #tpu.memory_space<hbm>>)
      tpu.yield
    }) : () -> ()
    return
  }
}

#map = affine_map<(d0, d1) -> (0)>
#map1 = affine_map<(d0, d1) -> (0, 0)>
module attributes {stable_mosaic.version = 14 : i64} {
  func.func @_dispatch_body(%arg0: i32, %arg1: i32, %arg2: memref<2048xi32, #tpu.memory_space<hbm>>, %arg3: memref<2048xi32, #tpu.memory_space<hbm>>, %arg4: memref<2048x1024xf32, #tpu.memory_space<hbm>>, %arg5: memref<6144x1024xf32, #tpu.memory_space<hbm>>, %arg6: memref<64xi32, #tpu.memory_space<vmem>>, %arg7: memref<64xi32, #tpu.memory_space<vmem>>, %arg8: memref<64x1024xf32, #tpu.memory_space<vmem>>, %arg9: memref<!tpu.dma_semaphore, #tpu.memory_space<semaphore_mem>>, %arg10: memref<!tpu.dma_semaphore, #tpu.memory_space<semaphore_mem>>) attributes {dimension_semantics = [#tpu.dimension_semantics<core_parallel>, #tpu.dimension_semantics<subcore_parallel>], iteration_bounds = array<i64: 2, 16>, scalar_prefetch = 0 : i64, scratch_operands = 5 : i64, tpu.core_type = #tpu.core_type<sc_vector_subcore>, window_params = [{transform_indices = #map}, {transform_indices = #map}, {transform_indices = #map1}, {transform_indices = #map1}]} {
    %mul3A = arith.constant 16 : i32
    %mul3A_0 = arith.muli %arg0, %mul3A : i32
    %add3A = arith.addi %mul3A_0, %arg1 : i32
    %mul3A_1 = arith.constant 64 : i32
    %mul3A_2 = arith.muli %add3A, %mul3A_1 : i32
    "tpu.region"() ({
      %run_scoped3A = tpu.sem_alloc : memref<!tpu.dma_semaphore, #tpu.memory_space<semaphore_mem>>
      %dma_start3A_13 = tpu.memref_slice %arg2[%mul3A_2] : memref<2048xi32, #tpu.memory_space<hbm>> -> memref<64xi32, #tpu.memory_space<hbm>>
      %dma_start3A_14 = tpu.memref_slice %arg2[%mul3A_2] : memref<2048xi32, #tpu.memory_space<hbm>> -> memref<64xi32, #tpu.memory_space<hbm>>
      tpu.enqueue_dma source(%dma_start3A_14 : memref<64xi32, #tpu.memory_space<hbm>>) target(%arg6 : memref<64xi32, #tpu.memory_space<vmem>>) target_semaphore(%run_scoped3A : memref<!tpu.dma_semaphore, #tpu.memory_space<semaphore_mem>>)
      %dma_wait3A_15 = tpu.memref_slice %arg2[%mul3A_2] : memref<2048xi32, #tpu.memory_space<hbm>> -> memref<64xi32, #tpu.memory_space<hbm>>
      %dma_wait3A_16 = tpu.memref_slice %arg2[%mul3A_2] : memref<2048xi32, #tpu.memory_space<hbm>> -> memref<64xi32, #tpu.memory_space<hbm>>
      tpu.wait_dma2 semaphore(%run_scoped3A : memref<!tpu.dma_semaphore, #tpu.memory_space<semaphore_mem>>) src(%dma_wait3A_16 : memref<64xi32, #tpu.memory_space<hbm>>) dst(%arg6 : memref<64xi32, #tpu.memory_space<vmem>>)
      tpu.yield
    }) : () -> ()
    "tpu.region"() ({
      %run_scoped3A = tpu.sem_alloc : memref<!tpu.dma_semaphore, #tpu.memory_space<semaphore_mem>>
      %dma_start3A_13 = tpu.memref_slice %arg3[%mul3A_2] : memref<2048xi32, #tpu.memory_space<hbm>> -> memref<64xi32, #tpu.memory_space<hbm>>
      %dma_start3A_14 = tpu.memref_slice %arg3[%mul3A_2] : memref<2048xi32, #tpu.memory_space<hbm>> -> memref<64xi32, #tpu.memory_space<hbm>>
      tpu.enqueue_dma source(%dma_start3A_14 : memref<64xi32, #tpu.memory_space<hbm>>) target(%arg7 : memref<64xi32, #tpu.memory_space<vmem>>) target_semaphore(%run_scoped3A : memref<!tpu.dma_semaphore, #tpu.memory_space<semaphore_mem>>)
      %dma_wait3A_15 = tpu.memref_slice %arg3[%mul3A_2] : memref<2048xi32, #tpu.memory_space<hbm>> -> memref<64xi32, #tpu.memory_space<hbm>>
      %dma_wait3A_16 = tpu.memref_slice %arg3[%mul3A_2] : memref<2048xi32, #tpu.memory_space<hbm>> -> memref<64xi32, #tpu.memory_space<hbm>>
      tpu.wait_dma2 semaphore(%run_scoped3A : memref<!tpu.dma_semaphore, #tpu.memory_space<semaphore_mem>>) src(%dma_wait3A_16 : memref<64xi32, #tpu.memory_space<hbm>>) dst(%arg7 : memref<64xi32, #tpu.memory_space<vmem>>)
      tpu.yield
    }) : () -> ()
    "tpu.region"() ({
      %run_scoped3A = tpu.sem_alloc : memref<!tpu.dma_semaphore, #tpu.memory_space<semaphore_mem>>
      %dma_start3A_13 = arith.constant 0 : i32
      %dma_start3A_14 = tpu.memref_slice %arg4[%mul3A_2, %dma_start3A_13] : memref<2048x1024xf32, #tpu.memory_space<hbm>> -> memref<64x1024xf32, #tpu.memory_space<hbm>>
      %dma_start3A_15 = arith.constant 0 : i32
      %dma_start3A_16 = tpu.memref_slice %arg4[%mul3A_2, %dma_start3A_15] : memref<2048x1024xf32, #tpu.memory_space<hbm>> -> memref<64x1024xf32, #tpu.memory_space<hbm>>
      tpu.enqueue_dma source(%dma_start3A_16 : memref<64x1024xf32, #tpu.memory_space<hbm>>) target(%arg8 : memref<64x1024xf32, #tpu.memory_space<vmem>>) target_semaphore(%run_scoped3A : memref<!tpu.dma_semaphore, #tpu.memory_space<semaphore_mem>>)
      %dma_wait3A_17 = arith.constant 0 : i32
      %dma_wait3A_18 = tpu.memref_slice %arg4[%mul3A_2, %dma_wait3A_17] : memref<2048x1024xf32, #tpu.memory_space<hbm>> -> memref<64x1024xf32, #tpu.memory_space<hbm>>
      %dma_wait3A_19 = arith.constant 0 : i32
      %dma_wait3A_20 = tpu.memref_slice %arg4[%mul3A_2, %dma_wait3A_19] : memref<2048x1024xf32, #tpu.memory_space<hbm>> -> memref<64x1024xf32, #tpu.memory_space<hbm>>
      tpu.wait_dma2 semaphore(%run_scoped3A : memref<!tpu.dma_semaphore, #tpu.memory_space<semaphore_mem>>) src(%dma_wait3A_20 : memref<64x1024xf32, #tpu.memory_space<hbm>>) dst(%arg8 : memref<64x1024xf32, #tpu.memory_space<vmem>>)
      tpu.yield
    }) : () -> ()
    %dma_start3A = arith.constant 0 : i32
    %dma_start3A_3 = arith.constant 0 : i32
    %dma_start3A_4 = tpu.memref_slice %arg5[%dma_start3A, %dma_start3A_3] : memref<6144x1024xf32, #tpu.memory_space<hbm>> -> memref<6144x1024xf32, #tpu.memory_space<hbm>>
    tpu.enqueue_indirect_dma source(%arg8 : memref<64x1024xf32, #tpu.memory_space<vmem>>) target(%dma_start3A_4 : memref<6144x1024xf32, #tpu.memory_space<hbm>>) offsets(%arg6 : memref<64xi32, #tpu.memory_space<vmem>>) semaphore(%arg9 : memref<!tpu.dma_semaphore, #tpu.memory_space<semaphore_mem>>)
    %dma_start3A_5 = arith.constant 0 : i32
    %dma_start3A_6 = arith.constant 0 : i32
    %dma_start3A_7 = tpu.memref_slice %arg5[%dma_start3A_5, %dma_start3A_6] : memref<6144x1024xf32, #tpu.memory_space<hbm>> -> memref<6144x1024xf32, #tpu.memory_space<hbm>>
    tpu.enqueue_indirect_dma source(%arg8 : memref<64x1024xf32, #tpu.memory_space<vmem>>) target(%dma_start3A_7 : memref<6144x1024xf32, #tpu.memory_space<hbm>>) offsets(%arg7 : memref<64xi32, #tpu.memory_space<vmem>>) semaphore(%arg10 : memref<!tpu.dma_semaphore, #tpu.memory_space<semaphore_mem>>)
    %dma_wait3A = arith.constant 0 : i32
    %dma_wait3A_8 = arith.constant 0 : i32
    %dma_wait3A_9 = tpu.memref_slice %arg5[%dma_wait3A, %dma_wait3A_8] : memref<6144x1024xf32, #tpu.memory_space<hbm>> -> memref<6144x1024xf32, #tpu.memory_space<hbm>>
    tpu.wait_indirect_dma semaphore(%arg9 : memref<!tpu.dma_semaphore, #tpu.memory_space<semaphore_mem>>) src(%arg8 : memref<64x1024xf32, #tpu.memory_space<vmem>>) dst(%dma_wait3A_9 : memref<6144x1024xf32, #tpu.memory_space<hbm>>)
    %dma_wait3A_10 = arith.constant 0 : i32
    %dma_wait3A_11 = arith.constant 0 : i32
    %dma_wait3A_12 = tpu.memref_slice %arg5[%dma_wait3A_10, %dma_wait3A_11] : memref<6144x1024xf32, #tpu.memory_space<hbm>> -> memref<6144x1024xf32, #tpu.memory_space<hbm>>
    tpu.wait_indirect_dma semaphore(%arg10 : memref<!tpu.dma_semaphore, #tpu.memory_space<semaphore_mem>>) src(%arg8 : memref<64x1024xf32, #tpu.memory_space<vmem>>) dst(%dma_wait3A_12 : memref<6144x1024xf32, #tpu.memory_space<hbm>>)
    return
  }
}

module attributes {stable_mosaic.version = 14 : i64} {
  func.func @_expert_body(%arg0: i32, %arg1: memref<32xi32, #tpu.memory_space<smem>>, %arg2: memref<32xi32, #tpu.memory_space<smem>>, %arg3: memref<256x1024xf32, #tpu.memory_space<vmem>>, %arg4: memref<1x1024x1024xf32, #tpu.memory_space<vmem>>, %arg5: memref<1x1x1024xf32, #tpu.memory_space<vmem>>, %arg6: memref<1x1024x512xf32, #tpu.memory_space<vmem>>, %arg7: memref<1x1x512xf32, #tpu.memory_space<vmem>>, %arg8: memref<512x8xf32, #tpu.memory_space<vmem>>, %arg9: memref<8xf32, #tpu.memory_space<smem>>, %arg10: memref<256xf32, #tpu.memory_space<vmem>>) attributes {dimension_semantics = [#tpu.dimension_semantics<arbitrary>], iteration_bounds = array<i64: 24>, scalar_prefetch = 2 : i64, scratch_operands = 0 : i64, tpu.core_type = #tpu.core_type<tc>, window_params = [{transform_indices = @transform_0, window_bounds = array<i64: 256, 1024>}, {transform_indices = @transform_1, window_bounds = array<i64: 1, 1024, 1024>}, {transform_indices = @transform_2, window_bounds = array<i64: 1, 1, 1024>}, {transform_indices = @transform_3, window_bounds = array<i64: 1, 1024, 512>}, {transform_indices = @transform_4, window_bounds = array<i64: 1, 1, 512>}, {pipeline_mode = #tpu.pipeline_mode<synchronous>, transform_indices = @transform_5, window_bounds = array<i64: 512, 8>}, {transform_indices = @transform_6, window_bounds = array<i64: 8>}, {transform_indices = @transform_7, window_bounds = array<i64: 256>}]} {
    %get3A = arith.index_cast %arg0 : i32 to index
    %get3A_0 = memref.load %arg2[%get3A] : memref<32xi32, #tpu.memory_space<smem>>
    %eq3A = arith.constant 1 : i32
    %eq3A_1 = arith.cmpi eq, %get3A_0, %eq3A : i32
    %convert_element_type3A = arith.extui %eq3A_1 : i1 to i32
    %cond3A = arith.constant 0 : i32
    %cond3A_2 = arith.cmpi ne, %convert_element_type3A, %cond3A : i32
    scf.if %cond3A_2 {
      %get3A_3 = arith.index_cast %arg0 : i32 to index
      %get3A_4 = memref.load %arg1[%get3A_3] : memref<32xi32, #tpu.memory_space<smem>>
      %get3A_5 = arith.constant 0 : index
      %get3A_6 = arith.constant 0 : index
      %get3A_7 = vector.load %arg3[%get3A_5, %get3A_6] : memref<256x1024xf32, #tpu.memory_space<vmem>>, vector<256x1024xf32>
      %get3A_8 = arith.constant 0 : index
      %get3A_9 = arith.constant 0 : index
      %get3A_10 = arith.constant 0 : index
      %get3A_11 = vector.load %arg4[%get3A_8, %get3A_9, %get3A_10] : memref<1x1024x1024xf32, #tpu.memory_space<vmem>>, vector<1x1024x1024xf32>
      %get3A_12 = vector.shape_cast %get3A_11 : vector<1x1024x1024xf32> to vector<1024x1024xf32>
      %dot_general3A = arith.constant dense<0.000000e+00> : vector<256x1024xf32>
      %dot_general3A_13 = tpu.matmul %get3A_7, %get3A_12, %dot_general3A {dimension_numbers = #tpu.dot_dimension_numbers<[1], [0], [0], [1], [0, 0, 1, 1], [], []>, transpose_lhs_hint = false} : vector<256x1024xf32>, vector<1024x1024xf32>, vector<256x1024xf32> -> vector<256x1024xf32>
      %get3A_14 = arith.constant 0 : index
      %get3A_15 = arith.constant 0 : index
      %get3A_16 = arith.constant 0 : index
      %get3A_17 = vector.load %arg5[%get3A_14, %get3A_15, %get3A_16] : memref<1x1x1024xf32, #tpu.memory_space<vmem>>, vector<1x1x1024xf32>
      %get3A_18 = vector.shape_cast %get3A_17 : vector<1x1x1024xf32> to vector<1x1024xf32>
      %add3A = vector.broadcast %get3A_18 : vector<1x1024xf32> to vector<256x1024xf32>
      %add3A_19 = arith.addf %dot_general3A_13, %add3A : vector<256x1024xf32>
      %max3A = arith.constant 0.000000e+00 : f32
      %max3A_20 = vector.broadcast %max3A : f32 to vector<256x1024xf32>
      %max3A_21 = arith.maximumf %add3A_19, %max3A_20 : vector<256x1024xf32>
      %get3A_22 = arith.constant 0 : index
      %get3A_23 = arith.constant 0 : index
      %get3A_24 = arith.constant 0 : index
      %get3A_25 = vector.load %arg6[%get3A_22, %get3A_23, %get3A_24] : memref<1x1024x512xf32, #tpu.memory_space<vmem>>, vector<1x1024x512xf32>
      %get3A_26 = vector.shape_cast %get3A_25 : vector<1x1024x512xf32> to vector<1024x512xf32>
      %dot_general3A_27 = arith.constant dense<0.000000e+00> : vector<256x512xf32>
      %dot_general3A_28 = tpu.matmul %max3A_21, %get3A_26, %dot_general3A_27 {dimension_numbers = #tpu.dot_dimension_numbers<[1], [0], [0], [1], [0, 0, 1, 1], [], []>, transpose_lhs_hint = false} : vector<256x1024xf32>, vector<1024x512xf32>, vector<256x512xf32> -> vector<256x512xf32>
      %get3A_29 = arith.constant 0 : index
      %get3A_30 = arith.constant 0 : index
      %get3A_31 = arith.constant 0 : index
      %get3A_32 = vector.load %arg7[%get3A_29, %get3A_30, %get3A_31] : memref<1x1x512xf32, #tpu.memory_space<vmem>>, vector<1x1x512xf32>
      %get3A_33 = vector.shape_cast %get3A_32 : vector<1x1x512xf32> to vector<1x512xf32>
      %add3A_34 = vector.broadcast %get3A_33 : vector<1x512xf32> to vector<256x512xf32>
      %add3A_35 = arith.addf %dot_general3A_28, %add3A_34 : vector<256x512xf32>
      %max3A_36 = arith.constant 0.000000e+00 : f32
      %max3A_37 = vector.broadcast %max3A_36 : f32 to vector<256x512xf32>
      %max3A_38 = arith.maximumf %add3A_35, %max3A_37 : vector<256x512xf32>
      %get3A_39 = arith.constant 0 : index
      %get3A_40 = arith.constant 0 : index
      %get3A_41 = vector.load %arg8[%get3A_39, %get3A_40] : memref<512x8xf32, #tpu.memory_space<vmem>>, vector<512x8xf32>
      %dot_general3A_42 = arith.constant dense<0.000000e+00> : vector<256x8xf32>
      %dot_general3A_43 = tpu.matmul %max3A_38, %get3A_41, %dot_general3A_42 {dimension_numbers = #tpu.dot_dimension_numbers<[1], [0], [0], [1], [0, 0, 1, 1], [], []>, transpose_lhs_hint = false} : vector<256x512xf32>, vector<512x8xf32>, vector<256x8xf32> -> vector<256x8xf32>
      %iota3A = tpu.iota {dimensions = array<i32: 1>} : vector<256x8xi32>
      %eq3A_44 = vector.broadcast %get3A_4 : i32 to vector<256x8xi32>
      %eq3A_45 = arith.cmpi eq, %iota3A, %eq3A_44 : vector<256x8xi32>
      %jit3A = arith.constant 0.000000e+00 : f32
      %broadcast_in_dim3A = vector.broadcast %jit3A : f32 to vector<256x8xf32>
      %select_n3A = arith.select %eq3A_45, %dot_general3A_43, %broadcast_in_dim3A : vector<256x8xi1>, vector<256x8xf32>
      %reduce_sum3A = arith.constant dense<0.000000e+00> : vector<256xf32>
      %reduce_sum3A_46 = vector.multi_reduction <add>, %select_n3A, %reduce_sum3A [1] : vector<256x8xf32> to vector<256xf32>
      %get3A_47 = arith.index_cast %get3A_4 : i32 to index
      %get3A_48 = memref.load %arg9[%get3A_47] : memref<8xf32, #tpu.memory_space<smem>>
      %add3A_49 = vector.broadcast %get3A_48 : f32 to vector<256xf32>
      %add3A_50 = arith.addf %reduce_sum3A_46, %add3A_49 : vector<256xf32>
      %neg3A = arith.constant 0.000000e+00 : f32
      %neg3A_51 = vector.broadcast %neg3A : f32 to vector<256xf32>
      %neg3A_52 = arith.subf %neg3A_51, %add3A_50 : vector<256xf32>
      %exp3A = math.exp %neg3A_52 : vector<256xf32>
      %add3A_53 = arith.constant 1.000000e+00 : f32
      %add3A_54 = vector.broadcast %add3A_53 : f32 to vector<256xf32>
      %add3A_55 = arith.addf %add3A_54, %exp3A : vector<256xf32>
      %div3A = arith.constant 1.000000e+00 : f32
      %div3A_56 = vector.broadcast %div3A : f32 to vector<256xf32>
      %div3A_57 = arith.divf %div3A_56, %add3A_55 : vector<256xf32>
      %swap3A = arith.constant 0 : index
      %swap3A_58 = vector.load %arg10[%swap3A] : memref<256xf32, #tpu.memory_space<vmem>>, vector<256xf32>
      tpu.vector_store %arg10[%swap3A], %div3A_57 {strides = array<i32>} : memref<256xf32, #tpu.memory_space<vmem>>, vector<256xf32>,
    } else {
    }
    return
  }
  func.func @transform_0(%arg0: i32, %arg1: memref<32xi32, #tpu.memory_space<smem>>, %arg2: memref<32xi32, #tpu.memory_space<smem>>) -> (i32, i32) {
    %get3A = arith.index_cast %arg0 : i32 to index
    %get3A_0 = memref.load %arg2[%get3A] : memref<32xi32, #tpu.memory_space<smem>>
    %eq3A = arith.constant 1 : i32
    %eq3A_1 = arith.cmpi eq, %get3A_0, %eq3A : i32
    %jit3A = arith.constant 0 : i32
    %select_n3A = arith.select %eq3A_1, %arg0, %jit3A : i32
    %c0_i32 = arith.constant 0 : i32
    %c0_i32_2 = arith.constant 0 : i32
    return %select_n3A, %c0_i32 : i32, i32
  }
  func.func @transform_1(%arg0: i32, %arg1: memref<32xi32, #tpu.memory_space<smem>>, %arg2: memref<32xi32, #tpu.memory_space<smem>>) -> (i32, i32, i32) {
    %get3A = arith.index_cast %arg0 : i32 to index
    %get3A_0 = memref.load %arg1[%get3A] : memref<32xi32, #tpu.memory_space<smem>>
    %c0_i32 = arith.constant 0 : i32
    %c0_i32_1 = arith.constant 0 : i32
    %c0_i32_2 = arith.constant 0 : i32
    return %get3A_0, %c0_i32, %c0_i32_1 : i32, i32, i32
  }
  func.func @transform_2(%arg0: i32, %arg1: memref<32xi32, #tpu.memory_space<smem>>, %arg2: memref<32xi32, #tpu.memory_space<smem>>) -> (i32, i32, i32) {
    %get3A = arith.index_cast %arg0 : i32 to index
    %get3A_0 = memref.load %arg1[%get3A] : memref<32xi32, #tpu.memory_space<smem>>
    %c0_i32 = arith.constant 0 : i32
    %c0_i32_1 = arith.constant 0 : i32
    %c0_i32_2 = arith.constant 0 : i32
    return %get3A_0, %c0_i32, %c0_i32_1 : i32, i32, i32
  }
  func.func @transform_3(%arg0: i32, %arg1: memref<32xi32, #tpu.memory_space<smem>>, %arg2: memref<32xi32, #tpu.memory_space<smem>>) -> (i32, i32, i32) {
    %get3A = arith.index_cast %arg0 : i32 to index
    %get3A_0 = memref.load %arg1[%get3A] : memref<32xi32, #tpu.memory_space<smem>>
    %c0_i32 = arith.constant 0 : i32
    %c0_i32_1 = arith.constant 0 : i32
    %c0_i32_2 = arith.constant 0 : i32
    return %get3A_0, %c0_i32, %c0_i32_1 : i32, i32, i32
  }
  func.func @transform_4(%arg0: i32, %arg1: memref<32xi32, #tpu.memory_space<smem>>, %arg2: memref<32xi32, #tpu.memory_space<smem>>) -> (i32, i32, i32) {
    %get3A = arith.index_cast %arg0 : i32 to index
    %get3A_0 = memref.load %arg1[%get3A] : memref<32xi32, #tpu.memory_space<smem>>
    %c0_i32 = arith.constant 0 : i32
    %c0_i32_1 = arith.constant 0 : i32
    %c0_i32_2 = arith.constant 0 : i32
    return %get3A_0, %c0_i32, %c0_i32_1 : i32, i32, i32
  }
  func.func @transform_5(%arg0: i32, %arg1: memref<32xi32, #tpu.memory_space<smem>>, %arg2: memref<32xi32, #tpu.memory_space<smem>>) -> (i32, i32) {
    %c0_i32 = arith.constant 0 : i32
    %c0_i32_0 = arith.constant 0 : i32
    %c0_i32_1 = arith.constant 0 : i32
    return %c0_i32, %c0_i32_0 : i32, i32
  }
  func.func @transform_6(%arg0: i32, %arg1: memref<32xi32, #tpu.memory_space<smem>>, %arg2: memref<32xi32, #tpu.memory_space<smem>>) -> i32 {
    %c0_i32 = arith.constant 0 : i32
    %c0_i32_0 = arith.constant 0 : i32
    return %c0_i32 : i32
  }
  func.func @transform_7(%arg0: i32, %arg1: memref<32xi32, #tpu.memory_space<smem>>, %arg2: memref<32xi32, #tpu.memory_space<smem>>) -> i32 {
    %c0_i32 = arith.constant 0 : i32
    return %arg0 : i32
  }
}

module attributes {stable_mosaic.version = 14 : i64} {
  func.func @_gating_body(%arg0: i32, %arg1: memref<512x1024xf32, #tpu.memory_space<vmem>>, %arg2: memref<1024x64xf32, #tpu.memory_space<vmem>>, %arg3: memref<1x64xf32, #tpu.memory_space<vmem>>, %arg4: memref<64x8xf32, #tpu.memory_space<vmem>>, %arg5: memref<1x8xf32, #tpu.memory_space<vmem>>, %arg6: memref<512x8xf32, #tpu.memory_space<vmem>>, %arg7: memref<512xf32, #tpu.memory_space<vmem>>, %arg8: memref<512xf32, #tpu.memory_space<vmem>>, %arg9: memref<2048xi32, #tpu.memory_space<vmem>>, %arg10: memref<2048xi32, #tpu.memory_space<vmem>>, %arg11: memref<32xi32, #tpu.memory_space<vmem>>, %arg12: memref<32xi32, #tpu.memory_space<vmem>>, %arg13: memref<1x8xf32, #tpu.memory_space<vmem>>, %arg14: memref<2048x8xf32, #tpu.memory_space<vmem>>, %arg15: memref<2048x8xf32, #tpu.memory_space<vmem>>, %arg16: memref<2048xf32, #tpu.memory_space<vmem>>, %arg17: memref<2048xf32, #tpu.memory_space<vmem>>) attributes {dimension_semantics = [#tpu.dimension_semantics<arbitrary>], iteration_bounds = array<i64: 5>, scalar_prefetch = 0 : i64, scratch_operands = 5 : i64, tpu.core_type = #tpu.core_type<tc>, window_params = [{transform_indices = @transform_0, window_bounds = array<i64: 512, 1024>}, {pipeline_mode = #tpu.pipeline_mode<synchronous>, transform_indices = @transform_1, window_bounds = array<i64: 1024, 64>}, {pipeline_mode = #tpu.pipeline_mode<synchronous>, transform_indices = @transform_2, window_bounds = array<i64: 1, 64>}, {pipeline_mode = #tpu.pipeline_mode<synchronous>, transform_indices = @transform_3, window_bounds = array<i64: 64, 8>}, {pipeline_mode = #tpu.pipeline_mode<synchronous>, transform_indices = @transform_4, window_bounds = array<i64: 1, 8>}, {transform_indices = @transform_5, window_bounds = array<i64: 512, 8>}, {transform_indices = @transform_6, window_bounds = array<i64: 512>}, {transform_indices = @transform_7, window_bounds = array<i64: 512>}, {pipeline_mode = #tpu.pipeline_mode<synchronous>, transform_indices = @transform_8, window_bounds = array<i64: 2048>}, {pipeline_mode = #tpu.pipeline_mode<synchronous>, transform_indices = @transform_9, window_bounds = array<i64: 2048>}, {pipeline_mode = #tpu.pipeline_mode<synchronous>, transform_indices = @transform_10, window_bounds = array<i64: 32>}, {pipeline_mode = #tpu.pipeline_mode<synchronous>, transform_indices = @transform_11, window_bounds = array<i64: 32>}]} {
    %eq3A = arith.constant 0 : i32
    %eq3A_0 = arith.cmpi eq, %arg0, %eq3A : i32
    %convert_element_type3A = arith.extui %eq3A_0 : i1 to i32
    %cond3A = arith.constant 0 : i32
    %cond3A_1 = arith.cmpi ne, %convert_element_type3A, %cond3A : i32
    scf.if %cond3A_1 {
      %broadcast_in_dim3A = arith.constant 0.000000e+00 : f32
      %broadcast_in_dim3A_11 = vector.broadcast %broadcast_in_dim3A : f32 to vector<1x8xf32>
      %swap3A = arith.constant 0 : index
      %swap3A_12 = arith.constant 0 : index
      %swap3A_13 = vector.load %arg13[%swap3A, %swap3A_12] : memref<1x8xf32, #tpu.memory_space<vmem>>, vector<1x8xf32>
      tpu.vector_store %arg13[%swap3A, %swap3A_12], %broadcast_in_dim3A_11 {strides = array<i32>} : memref<1x8xf32, #tpu.memory_space<vmem>>, vector<1x8xf32>,
    } else {
    }
    %lt3A = arith.constant 4 : i32
    %lt3A_2 = arith.cmpi slt, %arg0, %lt3A : i32
    %convert_element_type3A_3 = arith.extui %lt3A_2 : i1 to i32
    %cond3A_4 = arith.constant 0 : i32
    %cond3A_5 = arith.cmpi ne, %convert_element_type3A_3, %cond3A_4 : i32
    scf.if %cond3A_5 {
      %get3A = arith.constant 0 : index
      %get3A_11 = arith.constant 0 : index
      %get3A_12 = vector.load %arg1[%get3A, %get3A_11] : memref<512x1024xf32, #tpu.memory_space<vmem>>, vector<512x1024xf32>
      %get3A_13 = arith.constant 0 : index
      %get3A_14 = arith.constant 0 : index
      %get3A_15 = vector.load %arg2[%get3A_13, %get3A_14] : memref<1024x64xf32, #tpu.memory_space<vmem>>, vector<1024x64xf32>
      %dot_general3A = arith.constant dense<0.000000e+00> : vector<512x64xf32>
      %dot_general3A_16 = tpu.matmul %get3A_12, %get3A_15, %dot_general3A {dimension_numbers = #tpu.dot_dimension_numbers<[1], [0], [0], [1], [0, 0, 1, 1], [], []>, transpose_lhs_hint = false} : vector<512x1024xf32>, vector<1024x64xf32>, vector<512x64xf32> -> vector<512x64xf32>
      %get3A_17 = arith.constant 0 : index
      %get3A_18 = arith.constant 0 : index
      %get3A_19 = vector.load %arg3[%get3A_17, %get3A_18] : memref<1x64xf32, #tpu.memory_space<vmem>>, vector<1x64xf32>
      %add3A = vector.broadcast %get3A_19 : vector<1x64xf32> to vector<512x64xf32>
      %add3A_20 = arith.addf %dot_general3A_16, %add3A : vector<512x64xf32>
      %max3A = arith.constant 0.000000e+00 : f32
      %max3A_21 = vector.broadcast %max3A : f32 to vector<512x64xf32>
      %max3A_22 = arith.maximumf %add3A_20, %max3A_21 : vector<512x64xf32>
      %get3A_23 = arith.constant 0 : index
      %get3A_24 = arith.constant 0 : index
      %get3A_25 = vector.load %arg4[%get3A_23, %get3A_24] : memref<64x8xf32, #tpu.memory_space<vmem>>, vector<64x8xf32>
      %dot_general3A_26 = arith.constant dense<0.000000e+00> : vector<512x8xf32>
      %dot_general3A_27 = tpu.matmul %max3A_22, %get3A_25, %dot_general3A_26 {dimension_numbers = #tpu.dot_dimension_numbers<[1], [0], [0], [1], [0, 0, 1, 1], [], []>, transpose_lhs_hint = false} : vector<512x64xf32>, vector<64x8xf32>, vector<512x8xf32> -> vector<512x8xf32>
      %get3A_28 = arith.constant 0 : index
      %get3A_29 = arith.constant 0 : index
      %get3A_30 = vector.load %arg5[%get3A_28, %get3A_29] : memref<1x8xf32, #tpu.memory_space<vmem>>, vector<1x8xf32>
      %add3A_31 = vector.broadcast %get3A_30 : vector<1x8xf32> to vector<512x8xf32>
      %add3A_32 = arith.addf %dot_general3A_27, %add3A_31 : vector<512x8xf32>
      %reduce_max3A = arith.constant dense<0xFF800000> : vector<512xf32>
      %reduce_max3A_33 = vector.multi_reduction <maximumf>, %add3A_32, %reduce_max3A [1] : vector<512x8xf32> to vector<512xf32>
      %broadcast_in_dim3A = vector.shape_cast %reduce_max3A_33 : vector<512xf32> to vector<512x1xf32>
      %sub3A = vector.broadcast %broadcast_in_dim3A : vector<512x1xf32> to vector<512x8xf32>
      %sub3A_34 = arith.subf %add3A_32, %sub3A : vector<512x8xf32>
      %exp3A = math.exp %sub3A_34 : vector<512x8xf32>
      %reduce_sum3A = arith.constant dense<0.000000e+00> : vector<512xf32>
      %reduce_sum3A_35 = vector.multi_reduction <add>, %exp3A, %reduce_sum3A [1] : vector<512x8xf32> to vector<512xf32>
      %broadcast_in_dim3A_36 = vector.shape_cast %reduce_sum3A_35 : vector<512xf32> to vector<512x1xf32>
      %div3A = vector.broadcast %broadcast_in_dim3A_36 : vector<512x1xf32> to vector<512x8xf32>
      %div3A_37 = arith.divf %exp3A, %div3A : vector<512x8xf32>
      %iota3A = tpu.iota {dimensions = array<i32: 1>} : vector<512x8xi32>
      %reduce_max3A_38 = arith.constant dense<0xFF800000> : vector<512xf32>
      %reduce_max3A_39 = vector.multi_reduction <maximumf>, %div3A_37, %reduce_max3A_38 [1] : vector<512x8xf32> to vector<512xf32>
      %broadcast_in_dim3A_40 = vector.shape_cast %reduce_max3A_39 : vector<512xf32> to vector<512x1xf32>
      %eq3A_41 = vector.broadcast %broadcast_in_dim3A_40 : vector<512x1xf32> to vector<512x8xf32>
      %eq3A_42 = arith.cmpf oeq, %div3A_37, %eq3A_41 : vector<512x8xf32>
      %jit3A = arith.constant 8 : i32
      %broadcast_in_dim3A_43 = vector.broadcast %jit3A : i32 to vector<512x8xi32>
      %select_n3A = arith.select %eq3A_42, %iota3A, %broadcast_in_dim3A_43 : vector<512x8xi1>, vector<512x8xi32>
      %reduce_min3A = arith.constant dense<2147483647> : vector<512xi32>
      %reduce_min3A_44 = vector.multi_reduction <minsi>, %select_n3A, %reduce_min3A [1] : vector<512x8xi32> to vector<512xi32>
      %broadcast_in_dim3A_45 = vector.shape_cast %reduce_min3A_44 : vector<512xi32> to vector<512x1xi32>
      %eq3A_46 = vector.broadcast %broadcast_in_dim3A_45 : vector<512x1xi32> to vector<512x8xi32>
      %eq3A_47 = arith.cmpi eq, %iota3A, %eq3A_46 : vector<512x8xi32>
      %jit3A_48 = arith.constant -1.000000e+00 : f32
      %broadcast_in_dim3A_49 = vector.broadcast %jit3A_48 : f32 to vector<512x8xf32>
      %select_n3A_50 = arith.select %eq3A_47, %broadcast_in_dim3A_49, %div3A_37 : vector<512x8xi1>, vector<512x8xf32>
      %reduce_max3A_51 = arith.constant dense<0xFF800000> : vector<512xf32>
      %reduce_max3A_52 = vector.multi_reduction <maximumf>, %select_n3A_50, %reduce_max3A_51 [1] : vector<512x8xf32> to vector<512xf32>
      %broadcast_in_dim3A_53 = vector.shape_cast %reduce_max3A_52 : vector<512xf32> to vector<512x1xf32>
      %eq3A_54 = vector.broadcast %broadcast_in_dim3A_53 : vector<512x1xf32> to vector<512x8xf32>
      %eq3A_55 = arith.cmpf oeq, %select_n3A_50, %eq3A_54 : vector<512x8xf32>
      %jit3A_56 = arith.constant 8 : i32
      %broadcast_in_dim3A_57 = vector.broadcast %jit3A_56 : i32 to vector<512x8xi32>
      %select_n3A_58 = arith.select %eq3A_55, %iota3A, %broadcast_in_dim3A_57 : vector<512x8xi1>, vector<512x8xi32>
      %reduce_min3A_59 = arith.constant dense<2147483647> : vector<512xi32>
      %reduce_min3A_60 = vector.multi_reduction <minsi>, %select_n3A_58, %reduce_min3A_59 [1] : vector<512x8xi32> to vector<512xi32>
      %broadcast_in_dim3A_61 = vector.shape_cast %reduce_min3A_60 : vector<512xi32> to vector<512x1xi32>
      %eq3A_62 = vector.broadcast %broadcast_in_dim3A_61 : vector<512x1xi32> to vector<512x8xi32>
      %eq3A_63 = arith.cmpi eq, %iota3A, %eq3A_62 : vector<512x8xi32>
      %or3A = arith.ori %eq3A_47, %eq3A_63 : vector<512x8xi1>
      %jit3A_64 = arith.constant 0.000000e+00 : f32
      %broadcast_in_dim3A_65 = vector.broadcast %jit3A_64 : f32 to vector<512x8xf32>
      %select_n3A_66 = arith.select %or3A, %div3A_37, %broadcast_in_dim3A_65 : vector<512x8xi1>, vector<512x8xf32>
      %reduce_sum3A_67 = arith.constant dense<0.000000e+00> : vector<512xf32>
      %reduce_sum3A_68 = vector.multi_reduction <add>, %select_n3A_66, %reduce_sum3A_67 [1] : vector<512x8xf32> to vector<512xf32>
      %broadcast_in_dim3A_69 = vector.shape_cast %reduce_sum3A_68 : vector<512xf32> to vector<512x1xf32>
      %add3A_70 = arith.constant 1.000000e-10 : f32
      %add3A_71 = vector.broadcast %add3A_70 : f32 to vector<512x1xf32>
      %add3A_72 = arith.addf %broadcast_in_dim3A_69, %add3A_71 : vector<512x1xf32>
      %div3A_73 = vector.broadcast %add3A_72 : vector<512x1xf32> to vector<512x8xf32>
      %div3A_74 = arith.divf %select_n3A_66, %div3A_73 : vector<512x8xf32>
      %swap3A = arith.constant 0 : index
      %swap3A_75 = arith.constant 0 : index
      %swap3A_76 = vector.load %arg6[%swap3A, %swap3A_75] : memref<512x8xf32, #tpu.memory_space<vmem>>, vector<512x8xf32>
      tpu.vector_store %arg6[%swap3A, %swap3A_75], %div3A_74 {strides = array<i32>} : memref<512x8xf32, #tpu.memory_space<vmem>>, vector<512x8xf32>,
      %add3A_77 = arith.addf %broadcast_in_dim3A_40, %broadcast_in_dim3A_53 : vector<512x1xf32>
      %add3A_78 = arith.constant 1.000000e-10 : f32
      %add3A_79 = vector.broadcast %add3A_78 : f32 to vector<512x1xf32>
      %add3A_80 = arith.addf %add3A_77, %add3A_79 : vector<512x1xf32>
      %div3A_81 = arith.divf %broadcast_in_dim3A_40, %add3A_80 : vector<512x1xf32>
      %reshape3A = vector.shape_cast %div3A_81 : vector<512x1xf32> to vector<512xf32>
      %swap3A_82 = arith.constant 0 : index
      %swap3A_83 = vector.load %arg7[%swap3A_82] : memref<512xf32, #tpu.memory_space<vmem>>, vector<512xf32>
      tpu.vector_store %arg7[%swap3A_82], %reshape3A {strides = array<i32>} : memref<512xf32, #tpu.memory_space<vmem>>, vector<512xf32>,
      %div3A_84 = arith.divf %broadcast_in_dim3A_53, %add3A_80 : vector<512x1xf32>
      %reshape3A_85 = vector.shape_cast %div3A_84 : vector<512x1xf32> to vector<512xf32>
      %swap3A_86 = arith.constant 0 : index
      %swap3A_87 = vector.load %arg8[%swap3A_86] : memref<512xf32, #tpu.memory_space<vmem>>, vector<512xf32>
      tpu.vector_store %arg8[%swap3A_86], %reshape3A_85 {strides = array<i32>} : memref<512xf32, #tpu.memory_space<vmem>>, vector<512xf32>,
      %convert_element_type3A_88 = arith.extui %eq3A_47 : vector<512x8xi1> to vector<512x8xi32>
      %convert_element_type3A_89 = arith.sitofp %convert_element_type3A_88 : vector<512x8xi32> to vector<512x8xf32>
      %mul3A = arith.constant 512 : i32
      %mul3A_90 = arith.muli %arg0, %mul3A : i32
      %swap3A_91 = arith.index_cast %mul3A_90 : i32 to index
      %swap3A_92 = arith.constant 0 : index
      %swap3A_93 = vector.load %arg14[%swap3A_91, %swap3A_92] : memref<2048x8xf32, #tpu.memory_space<vmem>>, vector<512x8xf32>
      tpu.vector_store %arg14[%swap3A_91, %swap3A_92], %convert_element_type3A_89 {strides = array<i32>} : memref<2048x8xf32, #tpu.memory_space<vmem>>, vector<512x8xf32>,
      %convert_element_type3A_94 = arith.extui %eq3A_63 : vector<512x8xi1> to vector<512x8xi32>
      %convert_element_type3A_95 = arith.sitofp %convert_element_type3A_94 : vector<512x8xi32> to vector<512x8xf32>
      %mul3A_96 = arith.constant 512 : i32
      %mul3A_97 = arith.muli %arg0, %mul3A_96 : i32
      %swap3A_98 = arith.index_cast %mul3A_97 : i32 to index
      %swap3A_99 = arith.constant 0 : index
      %swap3A_100 = vector.load %arg15[%swap3A_98, %swap3A_99] : memref<2048x8xf32, #tpu.memory_space<vmem>>, vector<512x8xf32>
      tpu.vector_store %arg15[%swap3A_98, %swap3A_99], %convert_element_type3A_95 {strides = array<i32>} : memref<2048x8xf32, #tpu.memory_space<vmem>>, vector<512x8xf32>,
      %convert_element_type3A_101 = arith.extui %or3A : vector<512x8xi1> to vector<512x8xi32>
      %convert_element_type3A_102 = arith.sitofp %convert_element_type3A_101 : vector<512x8xi32> to vector<512x8xf32>
      %iota3A_103 = tpu.iota {dimensions = array<i32: 0>} : vector<512x512xi32>
      %iota3A_104 = tpu.iota {dimensions = array<i32: 1>} : vector<512x512xi32>
      %gt3A = arith.cmpi sgt, %iota3A_103, %iota3A_104 : vector<512x512xi32>
      %convert_element_type3A_105 = arith.extui %gt3A : vector<512x512xi1> to vector<512x512xi32>
      %convert_element_type3A_106 = arith.sitofp %convert_element_type3A_105 : vector<512x512xi32> to vector<512x512xf32>
      %dot_general3A_107 = arith.constant dense<0.000000e+00> : vector<512x8xf32>
      %dot_general3A_108 = tpu.matmul %convert_element_type3A_106, %convert_element_type3A_102, %dot_general3A_107 {dimension_numbers = #tpu.dot_dimension_numbers<[1], [0], [0], [1], [0, 0, 1, 1], [], []>, transpose_lhs_hint = false} : vector<512x512xf32>, vector<512x8xf32>, vector<512x8xf32> -> vector<512x8xf32>
      %get3A_109 = arith.constant 0 : index
      %get3A_110 = arith.constant 0 : index
      %get3A_111 = vector.load %arg13[%get3A_109, %get3A_110] : memref<1x8xf32, #tpu.memory_space<vmem>>, vector<1x8xf32>
      %add3A_112 = vector.broadcast %get3A_111 : vector<1x8xf32> to vector<512x8xf32>
      %add3A_113 = arith.addf %dot_general3A_108, %add3A_112 : vector<512x8xf32>
      %jit3A_114 = arith.constant 0.000000e+00 : f32
      %broadcast_in_dim3A_115 = vector.broadcast %jit3A_114 : f32 to vector<512x8xf32>
      %select_n3A_116 = arith.select %eq3A_47, %add3A_113, %broadcast_in_dim3A_115 : vector<512x8xi1>, vector<512x8xf32>
      %reduce_sum3A_117 = arith.constant dense<0.000000e+00> : vector<512xf32>
      %reduce_sum3A_118 = vector.multi_reduction <add>, %select_n3A_116, %reduce_sum3A_117 [1] : vector<512x8xf32> to vector<512xf32>
      %mul3A_119 = arith.constant 512 : i32
      %mul3A_120 = arith.muli %arg0, %mul3A_119 : i32
      %swap3A_121 = arith.index_cast %mul3A_120 : i32 to index
      %swap3A_122 = vector.load %arg16[%swap3A_121] : memref<2048xf32, #tpu.memory_space<vmem>>, vector<512xf32>
      tpu.vector_store %arg16[%swap3A_121], %reduce_sum3A_118 {strides = array<i32>} : memref<2048xf32, #tpu.memory_space<vmem>>, vector<512xf32>,
      %jit3A_123 = arith.constant 0.000000e+00 : f32
      %broadcast_in_dim3A_124 = vector.broadcast %jit3A_123 : f32 to vector<512x8xf32>
      %select_n3A_125 = arith.select %eq3A_63, %add3A_113, %broadcast_in_dim3A_124 : vector<512x8xi1>, vector<512x8xf32>
      %reduce_sum3A_126 = arith.constant dense<0.000000e+00> : vector<512xf32>
      %reduce_sum3A_127 = vector.multi_reduction <add>, %select_n3A_125, %reduce_sum3A_126 [1] : vector<512x8xf32> to vector<512xf32>
      %mul3A_128 = arith.constant 512 : i32
      %mul3A_129 = arith.muli %arg0, %mul3A_128 : i32
      %swap3A_130 = arith.index_cast %mul3A_129 : i32 to index
      %swap3A_131 = vector.load %arg17[%swap3A_130] : memref<2048xf32, #tpu.memory_space<vmem>>, vector<512xf32>
      tpu.vector_store %arg17[%swap3A_130], %reduce_sum3A_127 {strides = array<i32>} : memref<2048xf32, #tpu.memory_space<vmem>>, vector<512xf32>,
      %get3A_132 = arith.constant 0 : index
      %get3A_133 = arith.constant 0 : index
      %get3A_134 = vector.load %arg13[%get3A_132, %get3A_133] : memref<1x8xf32, #tpu.memory_space<vmem>>, vector<1x8xf32>
      %reduce_sum3A_135 = arith.constant dense<0.000000e+00> : vector<8xf32>
      %reduce_sum3A_136 = vector.multi_reduction <add>, %convert_element_type3A_102, %reduce_sum3A_135 [0] : vector<512x8xf32> to vector<8xf32>
      %broadcast_in_dim3A_137 = vector.shape_cast %reduce_sum3A_136 : vector<8xf32> to vector<1x8xf32>
      %add3A_138 = arith.addf %get3A_134, %broadcast_in_dim3A_137 : vector<1x8xf32>
      %swap3A_139 = arith.constant 0 : index
      %swap3A_140 = arith.constant 0 : index
      %swap3A_141 = vector.load %arg13[%swap3A_139, %swap3A_140] : memref<1x8xf32, #tpu.memory_space<vmem>>, vector<1x8xf32>
      tpu.vector_store %arg13[%swap3A_139, %swap3A_140], %add3A_138 {strides = array<i32>} : memref<1x8xf32, #tpu.memory_space<vmem>>, vector<1x8xf32>,
    } else {
    }
    %eq3A_6 = arith.constant 4 : i32
    %eq3A_7 = arith.cmpi eq, %arg0, %eq3A_6 : i32
    %convert_element_type3A_8 = arith.extui %eq3A_7 : i1 to i32
    %cond3A_9 = arith.constant 0 : i32
    %cond3A_10 = arith.cmpi ne, %convert_element_type3A_8, %cond3A_9 : i32
    scf.if %cond3A_10 {
      %get3A = arith.constant 0 : index
      %get3A_11 = arith.constant 0 : index
      %get3A_12 = vector.load %arg13[%get3A, %get3A_11] : memref<1x8xf32, #tpu.memory_space<vmem>>, vector<1x8xf32>
      %add3A = arith.constant 2.550000e+02 : f32
      %add3A_13 = vector.broadcast %add3A : f32 to vector<1x8xf32>
      %add3A_14 = arith.addf %get3A_12, %add3A_13 : vector<1x8xf32>
      %mul3A = arith.constant 3.906250e-03 : f32
      %mul3A_15 = vector.broadcast %mul3A : f32 to vector<1x8xf32>
      %mul3A_16 = arith.mulf %add3A_14, %mul3A_15 : vector<1x8xf32>
      %floor3A = math.floor %mul3A_16 : vector<1x8xf32>
      %iota3A = tpu.iota {dimensions = array<i32: 0>} : vector<8x8xi32>
      %iota3A_17 = tpu.iota {dimensions = array<i32: 1>} : vector<8x8xi32>
      %lt3A_18 = arith.cmpi slt, %iota3A, %iota3A_17 : vector<8x8xi32>
      %convert_element_type3A_19 = arith.extui %lt3A_18 : vector<8x8xi1> to vector<8x8xi32>
      %convert_element_type3A_20 = arith.sitofp %convert_element_type3A_19 : vector<8x8xi32> to vector<8x8xf32>
      %le3A = arith.cmpi sle, %iota3A, %iota3A_17 : vector<8x8xi32>
      %convert_element_type3A_21 = arith.extui %le3A : vector<8x8xi1> to vector<8x8xi32>
      %convert_element_type3A_22 = arith.sitofp %convert_element_type3A_21 : vector<8x8xi32> to vector<8x8xf32>
      %dot_general3A = arith.constant dense<0.000000e+00> : vector<1x8xf32>
      %dot_general3A_23 = tpu.matmul %floor3A, %convert_element_type3A_20, %dot_general3A {dimension_numbers = #tpu.dot_dimension_numbers<[1], [0], [0], [1], [0, 0, 1, 1], [], []>, transpose_lhs_hint = false} : vector<1x8xf32>, vector<8x8xf32>, vector<1x8xf32> -> vector<1x8xf32>
      %dot_general3A_24 = arith.constant dense<0.000000e+00> : vector<1x8xf32>
      %dot_general3A_25 = tpu.matmul %floor3A, %convert_element_type3A_22, %dot_general3A_24 {dimension_numbers = #tpu.dot_dimension_numbers<[1], [0], [0], [1], [0, 0, 1, 1], [], []>, transpose_lhs_hint = false} : vector<1x8xf32>, vector<8x8xf32>, vector<1x8xf32> -> vector<1x8xf32>
      %mul3A_26 = arith.constant 2.560000e+02 : f32
      %mul3A_27 = vector.broadcast %mul3A_26 : f32 to vector<1x8xf32>
      %mul3A_28 = arith.mulf %dot_general3A_23, %mul3A_27 : vector<1x8xf32>
      %iota3A_29 = tpu.iota {dimensions = array<i32: 0>} : vector<32x8xi32>
      %convert_element_type3A_30 = arith.fptosi %dot_general3A_25 : vector<1x8xf32> to vector<1x8xi32>
      %ge3A = vector.broadcast %convert_element_type3A_30 : vector<1x8xi32> to vector<32x8xi32>
      %ge3A_31 = arith.cmpi sge, %iota3A_29, %ge3A : vector<32x8xi32>
      %convert_element_type3A_32 = arith.extui %ge3A_31 : vector<32x8xi1> to vector<32x8xi32>
      %reduce_sum3A = arith.constant dense<0> : vector<32xi32>
      %reduce_sum3A_33 = vector.multi_reduction <add>, %convert_element_type3A_32, %reduce_sum3A [1] : vector<32x8xi32> to vector<32xi32>
      %min3A = arith.constant 7 : i32
      %min3A_34 = vector.broadcast %min3A : i32 to vector<32xi32>
      %min3A_35 = arith.minsi %reduce_sum3A_33, %min3A_34 : vector<32xi32>
      %swap3A = arith.constant 0 : index
      %swap3A_36 = vector.load %arg11[%swap3A] : memref<32xi32, #tpu.memory_space<vmem>>, vector<32xi32>
      tpu.vector_store %arg11[%swap3A], %min3A_35 {strides = array<i32>} : memref<32xi32, #tpu.memory_space<vmem>>, vector<32xi32>,
      %lt3A_37 = arith.constant 8 : i32
      %lt3A_38 = vector.broadcast %lt3A_37 : i32 to vector<32xi32>
      %lt3A_39 = arith.cmpi slt, %reduce_sum3A_33, %lt3A_38 : vector<32xi32>
      %convert_element_type3A_40 = arith.extui %lt3A_39 : vector<32xi1> to vector<32xi32>
      %swap3A_41 = arith.constant 0 : index
      %swap3A_42 = vector.load %arg12[%swap3A_41] : memref<32xi32, #tpu.memory_space<vmem>>, vector<32xi32>
      tpu.vector_store %arg12[%swap3A_41], %convert_element_type3A_40 {strides = array<i32>} : memref<32xi32, #tpu.memory_space<vmem>>, vector<32xi32>,
      %get3A_43 = arith.constant 0 : index
      %get3A_44 = arith.constant 0 : index
      %get3A_45 = vector.load %arg14[%get3A_43, %get3A_44] : memref<2048x8xf32, #tpu.memory_space<vmem>>, vector<2048x8xf32>
      %mul3A_46 = vector.broadcast %mul3A_28 : vector<1x8xf32> to vector<2048x8xf32>
      %mul3A_47 = arith.mulf %get3A_45, %mul3A_46 : vector<2048x8xf32>
      %reduce_sum3A_48 = arith.constant dense<0.000000e+00> : vector<2048xf32>
      %reduce_sum3A_49 = vector.multi_reduction <add>, %mul3A_47, %reduce_sum3A_48 [1] : vector<2048x8xf32> to vector<2048xf32>
      %get3A_50 = arith.constant 0 : index
      %get3A_51 = vector.load %arg16[%get3A_50] : memref<2048xf32, #tpu.memory_space<vmem>>, vector<2048xf32>
      %add3A_52 = arith.addf %reduce_sum3A_49, %get3A_51 : vector<2048xf32>
      %get3A_53 = arith.constant 0 : index
      %get3A_54 = arith.constant 0 : index
      %get3A_55 = vector.load %arg15[%get3A_53, %get3A_54] : memref<2048x8xf32, #tpu.memory_space<vmem>>, vector<2048x8xf32>
      %mul3A_56 = vector.broadcast %mul3A_28 : vector<1x8xf32> to vector<2048x8xf32>
      %mul3A_57 = arith.mulf %get3A_55, %mul3A_56 : vector<2048x8xf32>
      %reduce_sum3A_58 = arith.constant dense<0.000000e+00> : vector<2048xf32>
      %reduce_sum3A_59 = vector.multi_reduction <add>, %mul3A_57, %reduce_sum3A_58 [1] : vector<2048x8xf32> to vector<2048xf32>
      %get3A_60 = arith.constant 0 : index
      %get3A_61 = vector.load %arg17[%get3A_60] : memref<2048xf32, #tpu.memory_space<vmem>>, vector<2048xf32>
      %add3A_62 = arith.addf %reduce_sum3A_59, %get3A_61 : vector<2048xf32>
      %convert_element_type3A_63 = arith.fptosi %add3A_52 : vector<2048xf32> to vector<2048xi32>
      %swap3A_64 = arith.constant 0 : index
      %swap3A_65 = vector.load %arg9[%swap3A_64] : memref<2048xi32, #tpu.memory_space<vmem>>, vector<2048xi32>
      tpu.vector_store %arg9[%swap3A_64], %convert_element_type3A_63 {strides = array<i32>} : memref<2048xi32, #tpu.memory_space<vmem>>, vector<2048xi32>,
      %convert_element_type3A_66 = arith.fptosi %add3A_62 : vector<2048xf32> to vector<2048xi32>
      %swap3A_67 = arith.constant 0 : index
      %swap3A_68 = vector.load %arg10[%swap3A_67] : memref<2048xi32, #tpu.memory_space<vmem>>, vector<2048xi32>
      tpu.vector_store %arg10[%swap3A_67], %convert_element_type3A_66 {strides = array<i32>} : memref<2048xi32, #tpu.memory_space<vmem>>, vector<2048xi32>,
    } else {
    }
    return
  }
  func.func @transform_0(%arg0: i32) -> (i32, i32) {
    %min3A = arith.constant 3 : i32
    %min3A_0 = arith.minsi %arg0, %min3A : i32
    %c0_i32 = arith.constant 0 : i32
    %c0_i32_1 = arith.constant 0 : i32
    return %min3A_0, %c0_i32 : i32, i32
  }
  func.func @transform_1(%arg0: i32) -> (i32, i32) {
    %c0_i32 = arith.constant 0 : i32
    %c0_i32_0 = arith.constant 0 : i32
    %c0_i32_1 = arith.constant 0 : i32
    return %c0_i32, %c0_i32_0 : i32, i32
  }
  func.func @transform_2(%arg0: i32) -> (i32, i32) {
    %c0_i32 = arith.constant 0 : i32
    %c0_i32_0 = arith.constant 0 : i32
    %c0_i32_1 = arith.constant 0 : i32
    return %c0_i32, %c0_i32_0 : i32, i32
  }
  func.func @transform_3(%arg0: i32) -> (i32, i32) {
    %c0_i32 = arith.constant 0 : i32
    %c0_i32_0 = arith.constant 0 : i32
    %c0_i32_1 = arith.constant 0 : i32
    return %c0_i32, %c0_i32_0 : i32, i32
  }
  func.func @transform_4(%arg0: i32) -> (i32, i32) {
    %c0_i32 = arith.constant 0 : i32
    %c0_i32_0 = arith.constant 0 : i32
    %c0_i32_1 = arith.constant 0 : i32
    return %c0_i32, %c0_i32_0 : i32, i32
  }
  func.func @transform_5(%arg0: i32) -> (i32, i32) {
    %min3A = arith.constant 3 : i32
    %min3A_0 = arith.minsi %arg0, %min3A : i32
    %c0_i32 = arith.constant 0 : i32
    %c0_i32_1 = arith.constant 0 : i32
    return %min3A_0, %c0_i32 : i32, i32
  }
  func.func @transform_6(%arg0: i32) -> i32 {
    %min3A = arith.constant 3 : i32
    %min3A_0 = arith.minsi %arg0, %min3A : i32
    %c0_i32 = arith.constant 0 : i32
    return %min3A_0 : i32
  }
  func.func @transform_7(%arg0: i32) -> i32 {
    %min3A = arith.constant 3 : i32
    %min3A_0 = arith.minsi %arg0, %min3A : i32
    %c0_i32 = arith.constant 0 : i32
    return %min3A_0 : i32
  }
  func.func @transform_8(%arg0: i32) -> i32 {
    %c0_i32 = arith.constant 0 : i32
    %c0_i32_0 = arith.constant 0 : i32
    return %c0_i32 : i32
  }
  func.func @transform_9(%arg0: i32) -> i32 {
    %c0_i32 = arith.constant 0 : i32
    %c0_i32_0 = arith.constant 0 : i32
    return %c0_i32 : i32
  }
  func.func @transform_10(%arg0: i32) -> i32 {
    %c0_i32 = arith.constant 0 : i32
    %c0_i32_0 = arith.constant 0 : i32
    return %c0_i32 : i32
  }
  func.func @transform_11(%arg0: i32) -> i32 {
    %c0_i32 = arith.constant 0 : i32
    %c0_i32_0 = arith.constant 0 : i32
    return %c0_i32 : i32
  }
}

</mosaic_0001>

<sc_bundles>
// kernel: kernel.6.cloned.1.call-start
scs
__scs_entry_jumppad:
0x0: {  	(pc) =	sbr.rel $0x88, $3  }
0x1: {  	(tag) =	ssettag $0x0;
	lr =	simm.s32 $0x1  }
0x2: {  	[smem:$0x3F96] =	sst lr;
	_ =	strace $0xD0000000  }
0x3: {  	_ = 	snop  }
0x4: {  	_ = 	snop  }
0x5: {  	_ = 	snop  }
0x6: {  	_ = 	snop  }
0x7: {  	_ = 	snop  }
__scs_overlays_trampoline_lowered:
0x8: {  	[smem:$0x3FA5] =	sst s0  }
0x9: {  	[smem:$0x3FA6] =	sst s1  }
0xa: {  	[smem:$0x3FA7] =	sst s2  }
0xb: {  	[smem:$0x3FA8] =	sst s3  }
0xc: {  	[smem:$0x3FA9] =	sst s4  }
0xd: {  	[smem:$0x3FAA] =	sst s5  }
0xe: {  	[smem:$0x3FAB] =	sst s6  }
0xf: {  	[smem:$0x3FAC] =	sst s7  }
0x10: {  	[smem:$0x3FAD] =	sst s8  }
0x11: {  	[smem:$0x3FAE] =	sst s9;
	s0 =	simm.s32 @!p0 $0x0  }
0x12: {  	s1 =	sld [smem:$0x3F94];
	s0 =	simm.s32 @p0 $0x1  }
0x13: {  	[smem:$0x3FAF] =	sst s0;
	s0 =	simm.s32 @!p1 $0x0  }
0x14: {  	s2 =	sld [smem:$0x3F93];
	s0 =	simm.s32 @p1 $0x1  }
0x15: {  	[smem:$0x3FB0] =	sst s0;
	s0 =	simm.s32 @!p2 $0x0  }
0x16: {  	s3 =	sld [smem:$0x3FDB];
	s0 =	simm.s32 @p2 $0x1  }
0x17: {  	s4 =	simm.s32 $0x1BF5;
	[smem:$0x3FB2] =	sst s0  }
0x18: {  	s0 =	sld [smem:$0x3F95];
	_ =	swait.ge [sflag:s4], $0x0  }
0x19: {  	s7 =	sld [smem:$0x3F96]  }
0x1a: {  	s8 =	sadd.s32 $0xFFFFE003, lr  }
0x1b: {  	s9 =	sadd.s32 $0xFFFFFEF7, lr;
	s5 =	simm.s32 $0xFFFFFFFF;
	p2 =	slt.u32 s8, $0xFFFFF086  }
0x1c: {  	p1 =	slt.u32 s9, $0xF7A;
	s5 =	simm.s32 @!p2 $0x0  }
0x1d: {  	s5 =	simm.s32 @p1 $0x1;
	p0 =	seq.s32 s7, s2  }
0x1e: {  	s7 =	smul.u32 @!p0 $0xF7A, s2;
	p2 =	seq.s32 @!p0 s5, $0x0  }
0x1f: {  	s9 =	smul.u32 $0xF7A, s1;
	s8 =	simm.s32 @!p0 $0x1BF5;
	p2 =	por !p2, p0  }
0x20: {  	[sflag:s8] =	ssyncset.s32 @!p0 $0xFFFFF086;
	s6 =	sadd.s32 @!p0 s3, s7;
	s7 =	simm.s32 @!p0 $0x108  }
0x21: {  	s3 =	sadd.s32 s3, s9;
	s6 =	sadd.s32 @!p0 $0x88, s6;
	s7 =	simm.s32 @p2 $0x1082  }
0x22: {  	[simem:s7], [sflag:s8] =	dma.local @!p0 [hbm:s6], $0xF7A  }
0x23: {  	s9 =	sor.u32 $0xD0000000, s2;
	s6 =	simm.s32 $0x108;
	_ =	swait.ge @!p0 [sflag:s8], $0x0  }
0x24: {  	s3 =	sadd.s32 $0x88, s3;
	s6 =	simm.s32 @!p1 $0x1082;
	[sflag:s4] =	ssyncset.s32 $0xFFFFF086  }
0x25: {  	[simem:s6], [sflag:s4] =	dma.local [hbm:s3], $0xF7A  }
0x26: {  	[smem:$0x3F96] =	sst s1;
	(tag) =	ssettag s2;
	_ =	strace s9  }
0x27: {  	s1 =	sld [smem:$0x3FA6]  }
0x28: {  	s2 =	sld [smem:$0x3FA7]  }
0x29: {  	s4 =	sld [smem:$0x3FA9]  }
0x2a: {  	p0 =	seq.s32 s5, $0x0;
	s5 =	sld [smem:$0x3FAA]  }
0x2b: {  	s6 =	sld [smem:$0x3FAB]  }
0x2c: {  	s7 =	sld [smem:$0x3FAC]  }
0x2d: {  	s3 =	simm.s32 $0x108;
	s8 =	sld [smem:$0x3FAD]  }
0x2e: {  	s3 =	simm.s32 @!p0 $0x1082;
	s9 =	sld [smem:$0x3FAE]  }
0x2f: {  	lr =	sadd.s32 s0, s3;
	s0 =	sld [smem:$0x3FA5]  }
0x30: {  	s3 =	sld [smem:$0x3FA8]  }
0x31: {  	[smem:$0x3FB1] =	sst s10  }
0x32: {  	s10 =	sld [smem:$0x3FAF];
	_ =	sdelay $0x3  }
0x33: {  	p0 =	seq.s32 s10, $0x1;
	s10 =	sld [smem:$0x3FB1];
	_ =	sdelay $0x3  }
0x34: {  	[smem:$0x3FB1] =	sst s10  }
0x35: {  	s10 =	sld [smem:$0x3FB0];
	_ =	sdelay $0x3  }
0x36: {  	p1 =	seq.s32 s10, $0x1;
	s10 =	sld [smem:$0x3FB1];
	_ =	sdelay $0x3  }
0x37: {  	[smem:$0x3FB1] =	sst s10  }
0x38: {  	s10 =	sld [smem:$0x3FB2]  }
0x39: {  	_ = 	snop;
	(pc) =	sbr.ind lr, $3  }
0x3a: {  	_ = 	snop  }
0x3b: {  	_ = 	snop  }
0x3c: {  	p2 =	seq.s32 s10, $0x1;
	s10 =	sld [smem:$0x3FB1]  }
0x3d: {  	_ =	shalt  }
0x3e: {  	_ =	shalt  }
0x3f: {  	_ =	shalt  }
0x40: {  	_ =	shalt  }
0x41: {  	_ =	shalt  }
0x42: {  	_ =	shalt  }
0x43: {  	_ =	shalt  }
0x44: {  	_ =	shalt  }
0x45: {  	_ =	shalt  }
0x46: {  	_ =	shalt  }
0x47: {  	_ =	shalt  }
0x48: {  	_ =	shalt  }
0x49: {  	_ =	shalt  }
0x4a: {  	_ =	shalt  }
0x4b: {  	_ =	shalt  }
0x4c: {  	_ =	shalt  }
0x4d: {  	_ =	shalt  }
0x4e: {  	_ =	shalt  }
0x4f: {  	_ =	shalt  }
0x50: {  	_ =	shalt  }
0x51: {  	_ =	shalt  }
0x52: {  	_ =	shalt  }
0x53: {  	_ =	shalt  }
0x54: {  	_ =	shalt  }
0x55: {  	_ =	shalt  }
0x56: {  	_ =	shalt  }
0x57: {  	_ =	shalt  }
0x58: {  	_ =	shalt  }
0x59: {  	_ =	shalt  }
0x5a: {  	_ =	shalt  }
0x5b: {  	_ =	shalt  }
0x5c: {  	_ =	shalt  }
0x5d: {  	_ =	shalt  }
0x5e: {  	_ =	shalt  }
0x5f: {  	_ =	shalt  }
0x60: {  	_ =	shalt  }
0x61: {  	_ =	shalt  }
0x62: {  	_ =	shalt  }
0x63: {  	_ =	shalt  }
0x64: {  	_ =	shalt  }
0x65: {  	_ =	shalt  }
0x66: {  	_ =	shalt  }
0x67: {  	_ =	shalt  }
0x68: {  	_ =	shalt  }
0x69: {  	_ =	shalt  }
0x6a: {  	_ =	shalt  }
0x6b: {  	_ =	shalt  }
0x6c: {  	_ =	shalt  }
0x6d: {  	_ =	shalt  }
0x6e: {  	_ =	shalt  }
0x6f: {  	_ =	shalt  }
0x70: {  	_ =	shalt  }
0x71: {  	_ =	shalt  }
0x72: {  	_ =	shalt  }
0x73: {  	_ =	shalt  }
0x74: {  	_ =	shalt  }
0x75: {  	_ =	shalt  }
0x76: {  	_ =	shalt  }
0x77: {  	_ =	shalt  }
0x78: {  	_ =	shalt  }
0x79: {  	_ =	shalt  }
0x7a: {  	_ =	shalt  }
0x7b: {  	_ =	shalt  }
0x7c: {  	_ =	shalt  }
0x7d: {  	_ =	shalt  }
0x7e: {  	_ =	shalt  }
0x7f: {  	_ =	shalt  }
0x80: {  	_ =	shalt  }
0x81: {  	_ =	shalt  }
0x82: {  	_ =	shalt  }
0x83: {  	_ =	shalt  }
0x84: {  	_ =	shalt  }
0x85: {  	_ =	shalt  }
0x86: {  	_ =	shalt  }
0x87: {  	_ =	shalt  }
.Lfunc_end0:
.L_simem_size_0:
called_computation_lowered:
.L_overlay_start_0:
0x88: {  	s2 =	sld [smem:$0x3FD9]  }
0x89: {  	s3 =	sld [smem:$0x3FFE];
	_ =	sdelay $0x1  }
0x8a: {  	s1 =	srdreg.scid  }
0x8b: {  	s0 =	sand.u32 $0x1, s1  }
0x8c: {  	s17 =	sshll.u32 s0, $0xA;
	s2 =	sadd.s32 s3, s2  }
0x8d: {  	s2 =	sadd.s32 s2, s17  }
0x8e: {  	[smem:$0x3FBD] =	sst s2  }
0x8f: {  	_ = 	snop  }
0x90: {  	s2 =	sld [smem:$0x3FC9];
	(tm) =	ssettm $0x1  }
0x91: {  	s18 =	sld [smem:$0x3FFB];
	_ =	sdelay $0x3  }
0x92: {  	_ =	strace s18  }
0x93: {  	s3 =	sld [smem:$0x3FFC];
	_ =	sdelay $0x3  }
0x94: {  	_ =	strace s3  }
0x95: {  	s3 =	sld [smem:$0x3FFD];
	_ =	sdelay $0x3  }
0x96: {  	_ =	strace s3  }
0x97: {  	_ =	strace $0x8FFFFFFF  }
0x98: {  	s19 =	sld [smem:$0x3FDB];
	_ =	sdelay $0x1  }
0x99: {  	s4 =	simm.s32 $_scs_section_size  }
0x9a: {  	s5 =	simm.s32 $_size__tile_overlayer_lowered;
	s6 =	simm.s32 $_tile_overlayer_lowered  }
0x9b: {  	s22 =	simm.s32 $0x1BFF;
	s21 =	sshll.u32 s6, $0x1;
	s3 =	sadd.s32 s4, s19  }
0x9c: {  	s7 =	simm.s32 $0x0;
	s20 =	sshll.u32 s5, $0x1;
	s5 =	sadd.s32 s21, s3  }
0x9d: {  	[timem:s7], [sflag:s22] =	dma.local [hbm:s5], s20  }
0x9e: {  	_ =	swait.ge [sflag:s22], s20  }
0x9f: {  	s4 =	ssub.s32 $0x0, s20;
	[sflag:s22] =	ssyncset.done $0x0  }
0xa0: {  	[sflag:s22] =	ssyncadd.s32 s4;
	_ =	sdelay $0x1  }
0xa1: {  	s23 =	simm.s32 $0x1B8B  }
0xa2: {  	_ =	swait.ge [sflag:s23], $0x1  }
0xa3: {  	[sflag:s23] =	ssyncset.done $0x0  }
0xa4: {  	s25 =	simm.s32 $0x1B8E;
	s24 =	sld [smem:$0x3FFE];
	[sflag:s23] =	ssyncadd.s32 $0xFFFFFFFF  }
0xa5: {  	s26 =	simm.s32 $execute0_lowered;
	[smem:$0x3FD2] =	sst s25  }
0xa6: {  	s5 =	sshll.u32 s26, $0x1;
	_ =	strace $0x80000046;
	[dreg:$0x1] =	wrdreg $0xFFFFFFFF  }
0xa7: {  	s28 =	simm.s32 $_size_execute0_lowered;
	s3 =	sadd.s32 s3, s5;
	[dreg:$0x0] =	wrdreg $0x0  }
0xa8: {  	s5 =	sshll.u32 s28, $0x1;
	[dreg:$0x2] =	wrdreg s3  }
0xa9: {  	[dreg:$0x3] =	wrdreg s5  }
0xaa: {  	[dreg:$0x4] =	wrdreg $0xC0  }
0xab: {  	_ =	task [dreg:s7], $0x5FFFF  }
0xac: {  	[dreg:$0x1] =	wrdreg $0xFFFFFFFF  }
0xad: {  	[dreg:$0x0] =	wrdreg $0x60  }
0xae: {  	[dreg:$0x2] =	wrdreg s24  }
0xaf: {  	[dreg:$0x3] =	wrdreg s2  }
0xb0: {  	[dreg:$0x4] =	wrdreg $0x9  }
0xb1: {  	_ =	task.clear_ibuf [dreg:s7], $0x5FFFF;
	_ =	strace $0x90000046  }
0xb2: {  	s29 =	simm.s32 $0x9;
	_ =	strace $0x80000048  }
0xb3: {  	_ =	swait.ge [sflag:s29], $0x1  }
0xb4: {  	[sflag:s29] =	ssyncadd.s32 $0xFFFFFFFF  }
0xb5: {  	_ =	strace $0x90000048  }
0xb6: {  	_ =	sfence  }
0xb7: {  	s30 =	sld [smem:$0x0];
	_ =	sdelay $0x2  }
0xb8: {  	s31 =	sshll.u32 s1, $0xD;
	s1 =	sshrl.u32 s1, $0x2  }
0xb9: {  	s3 =	sand.u32 $0x4000, s31;
	s1 =	sadd.s32 s1, s30  }
0xba: {  	s0 =	sor.u32 s3, s0;
	s1 =	sshll.u32 s1, $0x11  }
0xbb: {  	s0 =	sor.u32 s1, s0  }
0xbc: {  	s0 =	sadd.s32 $0x8F2B, s0  }
0xbd: {  	[sflag:s0] =	ssyncadd.remote.s32 $0x1  }
0xbe: {  	_ =	sfence.sel $0xFFFF  }
0xbf: {  	[dreg:$0x0] =	wrdreg $0xFFFFFFFF;
	(pc) =	sbr.abs _section_cstart, $3  }
0xc0: {  	[dreg:$0x1] =	wrdreg $0xFFFFFFFF  }
0xc1: {  	_ =	task.clear_ibuf [dreg:s7], $0x2FFFF;
	_ =	strace $0x9FFFFFFF  }
0xc2: {  	(tm) =	ssettm $0x7FFFFFFF  }
0xc3: {  	_ =	shalt  }
tec
execute0_lowered:
.L_overlay_start_1:
0x0: {  	(tag) =	ssettag $0x1  }
0x1: {  	s0 =	srdreg.scid  }
0x2: {  	s1 =	rddreg [dreg:$0x0];
	s2 =	stileid.u32  }
0x3: {  	s4 =	rddreg [dreg:$0x1];
	s26 =	simm.s32 $0x80;
	s18 =	simm.s32 $0x100  }
0x4: {  	s22 =	simm.s32 $0x1900;
	s23 =	simm.s32 $0x2100;
	s24 =	simm.s32 $0x2900  }
0x5: {  	s25 =	simm.s32 $0x3100;
	s28 =	simm.s32 $0x4100;
	s29 =	simm.s32 $0x4900  }
0x6: {  	s30 =	simm.s32 $0x5100;
	s31 =	simm.s32 $0x5900;
	s10 =	simm.s32 $0x7100  }
0x7: {  	s11 =	simm.s32 $0x7900;
	s12 =	simm.s32 $0x8100;
	s13 =	simm.s32 $0x8900  }
0x8: {  	s14 =	simm.s32 $0x9100;
	s15 =	simm.s32 $0x9900;
	s16 =	simm.s32 $0xA100  }
0x9: {  	s17 =	simm.s32 $0xA900;
	s9 =	simm.s32 $0xB100;
	s19 =	simm.s32 $0xB900  }
0xa: {  	s0 =	sand.u32 $0x1, s0;
	s5 =	sshll.u32 s2, $0x6;
	s2 =	simm.s32 $0x0  }
0xb: {  	s3 =	sshll.u32 s0, $0xA;
	[smem:$0x7FF] =	sst s2;
	s0 =	ssub.s32 $0x2, s0  }
0xc: {  	s5 =	sor.u32 s5, s3;
	_ =	strace $0x80000047;
	s7 =	sshrl.u32 s0, $0x1  }
0xd: {  	[dreg:$0x6] =	wrdreg s26;
	s26 =	simm.s32 $0x3900;
	s3 =	sshrl.u32 s5, $0x3  }
0xe: {  	s5 =	sshll.u32 s5, $0x7;
	s0 =	ssub.s32 s0, s7;
	s6 =	sadd.s32 s3, s1  }
0xf: {  	s3 =	sadd.s32 $0x3A00, s1;
	s4 =	sadd.s32 s4, s5;
	s5 =	sadd.s32 $0x3C00, s1  }
0x10: {  	v2 =	vlaneseq.u32;
	s7 =	smax.u32 s0, $0x1;
	s8 =	sadd.s32 $0x3200, s6;
	[dreg:$0x5] =	wrdreg s4  }
0x11: {  	vm0 =	vmmov $0xffff;
	v1 =	vshrl.u32 v2, $0x3;
	s6 =	sadd.s32 $0x3400, s6;
	s4 =	sadd.s32 $0x3B00, s1;
	[dreg:$0x3] =	wrdreg s8  }
0x12: {  	v0 =	vand.u32 $0x7, v2;
	v2 =	vor.u32 $0x8, v2;
	v1 =	vmul.u32 $0x8, v1;
	[dreg:$0x4] =	wrdreg s6;
	s6 =	sadd.s32 $0x3D00, s1;
	s8 =	simm.s32 $0x3  }
.LBB2_1:
0x13: {  	s20 =	rddreg [dreg:$0x3]  }
0x14: {  	[tilespmem:s2], [sflag:$0x3] =	stream.linear.gather [hbm4b:s20+s2], $0x40, $0x38;
	[tilespmem:$0x10100] =	vst v63  }
0x15: {  	_ =	swait.ge [sflag:s8], $0x40  }
0x16: {  	s0 =	rddreg [dreg:$0x4];
	[sflag:s8] =	ssyncset.done $0x0  }
0x17: {  	s21 =	rddreg [dreg:$0x6];
	[sflag:s8] =	ssyncadd.s32 $0xFFFFFFC0  }
0x18: {  	[tilespmem:s21], [sflag:$0x3] =	stream.linear.gather [hbm4b:s0+s2], $0x40, $0x38;
	[tilespmem:$0x10100] =	vst v63  }
0x19: {  	_ =	swait.ge [sflag:s8], $0x40  }
0x1a: {  	[sflag:s8] =	ssyncset.done $0x0  }
0x1b: {  	s1 =	rddreg [dreg:$0x5];
	[sflag:s8] =	ssyncadd.s32 $0xFFFFFFC0  }
0x1c: {  	[tilespmem:s18], [sflag:$0x3] =	stream.linear.gather [hbm4b:s1+s2], $0x10000, $0x38;
	[tilespmem:$0x10100] =	vst v63  }
0x1d: {  	_ =	swait.ge [sflag:s8], $0x10000  }
0x1e: {  	[sflag:s8] =	ssyncset.done $0x0  }
0x1f: {  	[sflag:s8] =	ssyncadd.s32 $0xFFFF0000  }
0x20: {  	v3 =	vld [tilespmem:$0x0];
	_ =	sdelay $0x4  }
0x21: {  	v4 =	vshll.u32 v3, $0x3  }
0x22: {  	v3 =	vand.u32 $0x7, v3;
	v4 =	vand.u32 $0xFFFFFFC0, v4  }
0x23: {  	v3 =	vor.u32 v3, v4  }
0x24: {  	v4 =	vperm.xlane v3, v0;
	_ =	sdelay $0x1  }
0x25: {  	v4 =	vadd.s32 v1, v4;
	_ =	sdelay $0x4  }
0x26: {  	[hbm4b:s3+s2] =	stream.indirect_vreg.scatter [tilespmem:s18], [sflag:$0x1], $0x80, v4, vm0, $0xb8;
	[tilespmem:$0x10100] =	vst v63  }
0x27: {  	s20 =	simm.s32 $0x900;
	v3 =	vperm.xlane v3, v2  }
0x28: {  	[hbm4b:s4+s2] =	stream.indirect_vreg.scatter [tilespmem:s20], [sflag:$0x1], $0x80, v4, vm0, $0xb8;
	[tilespmem:$0x10100] =	vst v63  }
0x29: {  	s21 =	simm.s32 $0x1100;
	v3 =	vadd.s32 v1, v3  }
0x2a: {  	[hbm4b:s5+s2] =	stream.indirect_vreg.scatter [tilespmem:s21], [sflag:$0x1], $0x80, v4, vm0, $0xb8;
	[tilespmem:$0x10100] =	vst v63  }
0x2b: {  	_ = 	snop  }
0x2c: {  	[hbm4b:s6+s2] =	stream.indirect_vreg.scatter [tilespmem:s22], [sflag:$0x1], $0x80, v4, vm0, $0xb8;
	[tilespmem:$0x10100] =	vst v63  }
0x2d: {  	_ = 	snop  }
0x2e: {  	[hbm4b:s3+s2] =	stream.indirect_vreg.scatter [tilespmem:s23], [sflag:$0x1], $0x80, v3, vm0, $0xb8;
	[tilespmem:$0x10100] =	vst v63  }
0x2f: {  	_ = 	snop  }
0x30: {  	[hbm4b:s4+s2] =	stream.indirect_vreg.scatter [tilespmem:s24], [sflag:$0x1], $0x80, v3, vm0, $0xb8;
	[tilespmem:$0x10100] =	vst v63  }
0x31: {  	_ = 	snop  }
0x32: {  	[hbm4b:s5+s2] =	stream.indirect_vreg.scatter [tilespmem:s25], [sflag:$0x1], $0x80, v3, vm0, $0xb8;
	[tilespmem:$0x10100] =	vst v63  }
0x33: {  	_ = 	snop  }
0x34: {  	[hbm4b:s6+s2] =	stream.indirect_vreg.scatter [tilespmem:s26], [sflag:$0x1], $0x80, v3, vm0, $0xb8;
	[tilespmem:$0x10100] =	vst v63  }
0x35: {  	v3 =	vld [tilespmem:$0x10];
	_ =	sdelay $0x4  }
0x36: {  	v57 =	vshll.u32 v3, $0x3  }
0x37: {  	v3 =	vand.u32 $0x7, v3;
	v4 =	vand.u32 $0xFFFFFFC0, v57  }
0x38: {  	v3 =	vor.u32 v3, v4  }
0x39: {  	v4 =	vperm.xlane v3, v0;
	_ =	sdelay $0x1  }
0x3a: {  	v4 =	vadd.s32 v1, v4;
	_ =	sdelay $0x4  }
0x3b: {  	[hbm4b:s3+s2] =	stream.indirect_vreg.scatter [tilespmem:s28], [sflag:$0x1], $0x80, v4, vm0, $0xb8;
	[tilespmem:$0x10100] =	vst v63  }
0x3c: {  	v3 =	vperm.xlane v3, v2  }
0x3d: {  	[hbm4b:s4+s2] =	stream.indirect_vreg.scatter [tilespmem:s29], [sflag:$0x1], $0x80, v4, vm0, $0xb8;
	[tilespmem:$0x10100] =	vst v63  }
0x3e: {  	v3 =	vadd.s32 v1, v3  }
0x3f: {  	[hbm4b:s5+s2] =	stream.indirect_vreg.scatter [tilespmem:s30], [sflag:$0x1], $0x80, v4, vm0, $0xb8;
	[tilespmem:$0x10100] =	vst v63  }
0x40: {  	_ = 	snop  }
0x41: {  	[hbm4b:s6+s2] =	stream.indirect_vreg.scatter [tilespmem:s31], [sflag:$0x1], $0x80, v4, vm0, $0xb8;
	[tilespmem:$0x10100] =	vst v63  }
0x42: {  	s1 =	simm.s32 $0x6100  }
0x43: {  	[hbm4b:s3+s2] =	stream.indirect_vreg.scatter [tilespmem:s1], [sflag:$0x1], $0x80, v3, vm0, $0xb8;
	[tilespmem:$0x10100] =	vst v63  }
0x44: {  	s0 =	simm.s32 $0x6900  }
0x45: {  	[hbm4b:s4+s2] =	stream.indirect_vreg.scatter [tilespmem:s0], [sflag:$0x1], $0x80, v3, vm0, $0xb8;
	[tilespmem:$0x10100] =	vst v63  }
0x46: {  	_ = 	snop  }
0x47: {  	[hbm4b:s5+s2] =	stream.indirect_vreg.scatter [tilespmem:s10], [sflag:$0x1], $0x80, v3, vm0, $0xb8;
	[tilespmem:$0x10100] =	vst v63  }
0x48: {  	_ = 	snop  }
0x49: {  	[hbm4b:s6+s2] =	stream.indirect_vreg.scatter [tilespmem:s11], [sflag:$0x1], $0x80, v3, vm0, $0xb8;
	[tilespmem:$0x10100] =	vst v63  }
0x4a: {  	v3 =	vld [tilespmem:$0x20];
	_ =	sdelay $0x4  }
0x4b: {  	v58 =	vshll.u32 v3, $0x3  }
0x4c: {  	v3 =	vand.u32 $0x7, v3;
	v4 =	vand.u32 $0xFFFFFFC0, v58  }
0x4d: {  	v3 =	vor.u32 v3, v4  }
0x4e: {  	v4 =	vperm.xlane v3, v0;
	_ =	sdelay $0x1  }
0x4f: {  	v4 =	vadd.s32 v1, v4;
	_ =	sdelay $0x4  }
0x50: {  	[hbm4b:s3+s2] =	stream.indirect_vreg.scatter [tilespmem:s12], [sflag:$0x1], $0x80, v4, vm0, $0xb8;
	[tilespmem:$0x10100] =	vst v63  }
0x51: {  	v3 =	vperm.xlane v3, v2  }
0x52: {  	[hbm4b:s4+s2] =	stream.indirect_vreg.scatter [tilespmem:s13], [sflag:$0x1], $0x80, v4, vm0, $0xb8;
	[tilespmem:$0x10100] =	vst v63  }
0x53: {  	v3 =	vadd.s32 v1, v3  }
0x54: {  	[hbm4b:s5+s2] =	stream.indirect_vreg.scatter [tilespmem:s14], [sflag:$0x1], $0x80, v4, vm0, $0xb8;
	[tilespmem:$0x10100] =	vst v63  }
0x55: {  	_ = 	snop  }
0x56: {  	[hbm4b:s6+s2] =	stream.indirect_vreg.scatter [tilespmem:s15], [sflag:$0x1], $0x80, v4, vm0, $0xb8;
	[tilespmem:$0x10100] =	vst v63  }
0x57: {  	_ = 	snop  }
0x58: {  	[hbm4b:s3+s2] =	stream.indirect_vreg.scatter [tilespmem:s16], [sflag:$0x1], $0x80, v3, vm0, $0xb8;
	[tilespmem:$0x10100] =	vst v63  }
0x59: {  	_ = 	snop  }
0x5a: {  	[hbm4b:s4+s2] =	stream.indirect_vreg.scatter [tilespmem:s17], [sflag:$0x1], $0x80, v3, vm0, $0xb8;
	[tilespmem:$0x10100] =	vst v63  }
0x5b: {  	_ = 	snop  }
0x5c: {  	[hbm4b:s5+s2] =	stream.indirect_vreg.scatter [tilespmem:s9], [sflag:$0x1], $0x80, v3, vm0, $0xb8;
	[tilespmem:$0x10100] =	vst v63  }
0x5d: {  	_ = 	snop  }
0x5e: {  	[hbm4b:s6+s2] =	stream.indirect_vreg.scatter [tilespmem:s19], [sflag:$0x1], $0x80, v3, vm0, $0xb8;
	[tilespmem:$0x10100] =	vst v63  }
0x5f: {  	v3 =	vld [tilespmem:$0x30];
	_ =	sdelay $0x4  }
0x60: {  	v59 =	vshll.u32 v3, $0x3  }
0x61: {  	v3 =	vand.u32 $0x7, v3;
	v4 =	vand.u32 $0xFFFFFFC0, v59  }
0x62: {  	v3 =	vor.u32 v3, v4  }
0x63: {  	v4 =	vperm.xlane v3, v0;
	_ =	sdelay $0x1  }
0x64: {  	v4 =	vadd.s32 v1, v4;
	_ =	sdelay $0x3  }
0x65: {  	s0 =	simm.s32 $0xC100  }
0x66: {  	[hbm4b:s3+s2] =	stream.indirect_vreg.scatter [tilespmem:s0], [sflag:$0x1], $0x80, v4, vm0, $0xb8;
	[tilespmem:$0x10100] =	vst v63  }
0x67: {  	v3 =	vperm.xlane v3, v2;
	s0 =	simm.s32 $0xC900  }
0x68: {  	[hbm4b:s4+s2] =	stream.indirect_vreg.scatter [tilespmem:s0], [sflag:$0x1], $0x80, v4, vm0, $0xb8;
	[tilespmem:$0x10100] =	vst v63  }
0x69: {  	v3 =	vadd.s32 v1, v3;
	s0 =	simm.s32 $0xD100  }
0x6a: {  	[hbm4b:s5+s2] =	stream.indirect_vreg.scatter [tilespmem:s0], [sflag:$0x1], $0x80, v4, vm0, $0xb8;
	[tilespmem:$0x10100] =	vst v63  }
0x6b: {  	s0 =	simm.s32 $0xD900  }
0x6c: {  	[hbm4b:s6+s2] =	stream.indirect_vreg.scatter [tilespmem:s0], [sflag:$0x1], $0x80, v4, vm0, $0xb8;
	[tilespmem:$0x10100] =	vst v63  }
0x6d: {  	s0 =	simm.s32 $0xE100  }
0x6e: {  	[hbm4b:s3+s2] =	stream.indirect_vreg.scatter [tilespmem:s0], [sflag:$0x1], $0x80, v3, vm0, $0xb8;
	[tilespmem:$0x10100] =	vst v63  }
0x6f: {  	s0 =	simm.s32 $0xE900  }
0x70: {  	[hbm4b:s4+s2] =	stream.indirect_vreg.scatter [tilespmem:s0], [sflag:$0x1], $0x80, v3, vm0, $0xb8;
	[tilespmem:$0x10100] =	vst v63  }
0x71: {  	s0 =	simm.s32 $0xF100  }
0x72: {  	[hbm4b:s5+s2] =	stream.indirect_vreg.scatter [tilespmem:s0], [sflag:$0x1], $0x80, v3, vm0, $0xb8;
	[tilespmem:$0x10100] =	vst v63  }
0x73: {  	s0 =	simm.s32 $0xF900  }
0x74: {  	[hbm4b:s6+s2] =	stream.indirect_vreg.scatter [tilespmem:s0], [sflag:$0x1], $0x80, v3, vm0, $0xb8;
	[tilespmem:$0x10100] =	vst v63  }
0x75: {  	v3 =	vld [tilespmem:$0x80];
	_ =	sdelay $0x4  }
0x76: {  	v60 =	vshll.u32 v3, $0x3  }
0x77: {  	v3 =	vand.u32 $0x7, v3;
	v4 =	vand.u32 $0xFFFFFFC0, v60  }
0x78: {  	v3 =	vor.u32 v3, v4  }
0x79: {  	v4 =	vperm.xlane v3, v0;
	_ =	sdelay $0x1  }
0x7a: {  	v4 =	vadd.s32 v1, v4;
	_ =	sdelay $0x4  }
0x7b: {  	[hbm4b:s3+s2] =	stream.indirect_vreg.scatter [tilespmem:s18], [sflag:$0x2], $0x80, v4, vm0, $0xb8;
	[tilespmem:$0x10100] =	vst v63  }
0x7c: {  	v3 =	vperm.xlane v3, v2  }
0x7d: {  	[hbm4b:s4+s2] =	stream.indirect_vreg.scatter [tilespmem:s20], [sflag:$0x2], $0x80, v4, vm0, $0xb8;
	[tilespmem:$0x10100] =	vst v63  }
0x7e: {  	v3 =	vadd.s32 v1, v3  }
0x7f: {  	[hbm4b:s5+s2] =	stream.indirect_vreg.scatter [tilespmem:s21], [sflag:$0x2], $0x80, v4, vm0, $0xb8;
	[tilespmem:$0x10100] =	vst v63  }
0x80: {  	_ = 	snop  }
0x81: {  	[hbm4b:s6+s2] =	stream.indirect_vreg.scatter [tilespmem:s22], [sflag:$0x2], $0x80, v4, vm0, $0xb8;
	[tilespmem:$0x10100] =	vst v63  }
0x82: {  	_ = 	snop  }
0x83: {  	[hbm4b:s3+s2] =	stream.indirect_vreg.scatter [tilespmem:s23], [sflag:$0x2], $0x80, v3, vm0, $0xb8;
	[tilespmem:$0x10100] =	vst v63  }
0x84: {  	_ = 	snop  }
0x85: {  	[hbm4b:s4+s2] =	stream.indirect_vreg.scatter [tilespmem:s24], [sflag:$0x2], $0x80, v3, vm0, $0xb8;
	[tilespmem:$0x10100] =	vst v63  }
0x86: {  	_ = 	snop  }
0x87: {  	[hbm4b:s5+s2] =	stream.indirect_vreg.scatter [tilespmem:s25], [sflag:$0x2], $0x80, v3, vm0, $0xb8;
	[tilespmem:$0x10100] =	vst v63  }
0x88: {  	_ = 	snop  }
0x89: {  	[hbm4b:s6+s2] =	stream.indirect_vreg.scatter [tilespmem:s26], [sflag:$0x2], $0x80, v3, vm0, $0xb8;
	[tilespmem:$0x10100] =	vst v63  }
0x8a: {  	v3 =	vld [tilespmem:$0x90];
	_ =	sdelay $0x4  }
0x8b: {  	v61 =	vshll.u32 v3, $0x3  }
0x8c: {  	v3 =	vand.u32 $0x7, v3;
	v4 =	vand.u32 $0xFFFFFFC0, v61  }
0x8d: {  	v3 =	vor.u32 v3, v4  }
0x8e: {  	v4 =	vperm.xlane v3, v0;
	_ =	sdelay $0x1  }
0x8f: {  	v4 =	vadd.s32 v1, v4;
	_ =	sdelay $0x4  }
0x90: {  	[hbm4b:s3+s2] =	stream.indirect_vreg.scatter [tilespmem:s28], [sflag:$0x2], $0x80, v4, vm0, $0xb8;
	[tilespmem:$0x10100] =	vst v63  }
0x91: {  	v3 =	vperm.xlane v3, v2  }
0x92: {  	[hbm4b:s4+s2] =	stream.indirect_vreg.scatter [tilespmem:s29], [sflag:$0x2], $0x80, v4, vm0, $0xb8;
	[tilespmem:$0x10100] =	vst v63  }
0x93: {  	v3 =	vadd.s32 v1, v3  }
0x94: {  	[hbm4b:s5+s2] =	stream.indirect_vreg.scatter [tilespmem:s30], [sflag:$0x2], $0x80, v4, vm0, $0xb8;
	[tilespmem:$0x10100] =	vst v63  }
0x95: {  	_ = 	snop  }
0x96: {  	[hbm4b:s6+s2] =	stream.indirect_vreg.scatter [tilespmem:s31], [sflag:$0x2], $0x80, v4, vm0, $0xb8;
	[tilespmem:$0x10100] =	vst v63  }
0x97: {  	_ = 	snop  }
0x98: {  	[hbm4b:s3+s2] =	stream.indirect_vreg.scatter [tilespmem:s1], [sflag:$0x2], $0x80, v3, vm0, $0xb8;
	[tilespmem:$0x10100] =	vst v63  }
0x99: {  	s20 =	simm.s32 $0x6900  }
0x9a: {  	[hbm4b:s4+s2] =	stream.indirect_vreg.scatter [tilespmem:s20], [sflag:$0x2], $0x80, v3, vm0, $0xb8;
	[tilespmem:$0x10100] =	vst v63  }
0x9b: {  	_ = 	snop  }
0x9c: {  	[hbm4b:s5+s2] =	stream.indirect_vreg.scatter [tilespmem:s10], [sflag:$0x2], $0x80, v3, vm0, $0xb8;
	[tilespmem:$0x10100] =	vst v63  }
0x9d: {  	_ = 	snop  }
0x9e: {  	[hbm4b:s6+s2] =	stream.indirect_vreg.scatter [tilespmem:s11], [sflag:$0x2], $0x80, v3, vm0, $0xb8;
	[tilespmem:$0x10100] =	vst v63  }
0x9f: {  	v3 =	vld [tilespmem:$0xA0];
	_ =	sdelay $0x4  }
0xa0: {  	v62 =	vshll.u32 v3, $0x3  }
0xa1: {  	v3 =	vand.u32 $0x7, v3;
	v4 =	vand.u32 $0xFFFFFFC0, v62  }
0xa2: {  	v3 =	vor.u32 v3, v4  }
0xa3: {  	v4 =	vperm.xlane v3, v0;
	_ =	sdelay $0x1  }
0xa4: {  	v4 =	vadd.s32 v1, v4;
	_ =	sdelay $0x4  }
0xa5: {  	[hbm4b:s3+s2] =	stream.indirect_vreg.scatter [tilespmem:s12], [sflag:$0x2], $0x80, v4, vm0, $0xb8;
	[tilespmem:$0x10100] =	vst v63  }
0xa6: {  	v3 =	vperm.xlane v3, v2  }
0xa7: {  	[hbm4b:s4+s2] =	stream.indirect_vreg.scatter [tilespmem:s13], [sflag:$0x2], $0x80, v4, vm0, $0xb8;
	[tilespmem:$0x10100] =	vst v63  }
0xa8: {  	v3 =	vadd.s32 v1, v3  }
0xa9: {  	[hbm4b:s5+s2] =	stream.indirect_vreg.scatter [tilespmem:s14], [sflag:$0x2], $0x80, v4, vm0, $0xb8;
	[tilespmem:$0x10100] =	vst v63  }
0xaa: {  	_ = 	snop  }
0xab: {  	[hbm4b:s6+s2] =	stream.indirect_vreg.scatter [tilespmem:s15], [sflag:$0x2], $0x80, v4, vm0, $0xb8;
	[tilespmem:$0x10100] =	vst v63  }
0xac: {  	_ = 	snop  }
0xad: {  	[hbm4b:s3+s2] =	stream.indirect_vreg.scatter [tilespmem:s16], [sflag:$0x2], $0x80, v3, vm0, $0xb8;
	[tilespmem:$0x10100] =	vst v63  }
0xae: {  	_ = 	snop  }
0xaf: {  	[hbm4b:s4+s2] =	stream.indirect_vreg.scatter [tilespmem:s17], [sflag:$0x2], $0x80, v3, vm0, $0xb8;
	[tilespmem:$0x10100] =	vst v63  }
0xb0: {  	_ = 	snop  }
0xb1: {  	[hbm4b:s5+s2] =	stream.indirect_vreg.scatter [tilespmem:s9], [sflag:$0x2], $0x80, v3, vm0, $0xb8;
	[tilespmem:$0x10100] =	vst v63  }
0xb2: {  	_ = 	snop  }
0xb3: {  	[hbm4b:s6+s2] =	stream.indirect_vreg.scatter [tilespmem:s19], [sflag:$0x2], $0x80, v3, vm0, $0xb8;
	[tilespmem:$0x10100] =	vst v63  }
0xb4: {  	v3 =	vld [tilespmem:$0xB0];
	_ =	sdelay $0x4  }
0xb5: {  	v63 =	vshll.u32 v3, $0x3  }
0xb6: {  	v3 =	vand.u32 $0x7, v3;
	v4 =	vand.u32 $0xFFFFFFC0, v63  }
0xb7: {  	v3 =	vor.u32 v3, v4  }
0xb8: {  	v4 =	vperm.xlane v3, v0;
	_ =	sdelay $0x1  }
0xb9: {  	v4 =	vadd.s32 v1, v4;
	_ =	sdelay $0x3  }
0xba: {  	s21 =	simm.s32 $0xC100  }
0xbb: {  	[hbm4b:s3+s2] =	stream.indirect_vreg.scatter [tilespmem:s21], [sflag:$0x2], $0x80, v4, vm0, $0xb8;
	[tilespmem:$0x10100] =	vst v63  }
0xbc: {  	s20 =	simm.s32 $0xC900;
	v3 =	vperm.xlane v3, v2  }
0xbd: {  	[hbm4b:s4+s2] =	stream.indirect_vreg.scatter [tilespmem:s20], [sflag:$0x2], $0x80, v4, vm0, $0xb8;
	[tilespmem:$0x10100] =	vst v63  }
0xbe: {  	v3 =	vadd.s32 v1, v3;
	s21 =	simm.s32 $0xD100  }
0xbf: {  	[hbm4b:s5+s2] =	stream.indirect_vreg.scatter [tilespmem:s21], [sflag:$0x2], $0x80, v4, vm0, $0xb8;
	[tilespmem:$0x10100] =	vst v63  }
0xc0: {  	s20 =	simm.s32 $0xD900  }
0xc1: {  	[hbm4b:s6+s2] =	stream.indirect_vreg.scatter [tilespmem:s20], [sflag:$0x2], $0x80, v4, vm0, $0xb8;
	[tilespmem:$0x10100] =	vst v63  }
0xc2: {  	s21 =	simm.s32 $0xE100  }
0xc3: {  	[hbm4b:s3+s2] =	stream.indirect_vreg.scatter [tilespmem:s21], [sflag:$0x2], $0x80, v3, vm0, $0xb8;
	[tilespmem:$0x10100] =	vst v63  }
0xc4: {  	s20 =	simm.s32 $0xE900  }
0xc5: {  	[hbm4b:s4+s2] =	stream.indirect_vreg.scatter [tilespmem:s20], [sflag:$0x2], $0x80, v3, vm0, $0xb8;
	[tilespmem:$0x10100] =	vst v63  }
0xc6: {  	s21 =	simm.s32 $0xF100  }
0xc7: {  	[hbm4b:s5+s2] =	stream.indirect_vreg.scatter [tilespmem:s21], [sflag:$0x2], $0x80, v3, vm0, $0xb8;
	[tilespmem:$0x10100] =	vst v63  }
0xc8: {  	s20 =	simm.s32 $0x1  }
0xc9: {  	[hbm4b:s6+s2] =	stream.indirect_vreg.scatter [tilespmem:s0], [sflag:$0x2], $0x80, v3, vm0, $0xb8;
	[tilespmem:$0x10100] =	vst v63  }
0xca: {  	p0 =	sne.s32 s7, $0x1;
	_ =	swait.ge [sflag:s20], $0x10000  }
.Ltmp0:
0xcb: {  	[sflag:s20] =	ssyncset.done $0x0;
	(pc) =	sbr.rel @p0 .LBB2_1-.Ltmp0, $4  }
0xcc: {  	s21 =	simm.s32 $0x2;
	[sflag:s20] =	ssyncadd.s32 $0xFFFF0000  }
0xcd: {  	_ =	swait.ge [sflag:s21], $0x10000  }
0xce: {  	[sflag:s21] =	ssyncset.done $0x0  }
0xcf: {  	s7 =	sadd.s32 $0xFFFFFFFF, s7;
	[sflag:s21] =	ssyncadd.s32 $0xFFFF0000  }
0xd0: {  	_ =	sfence.sel $0x180000  }
0xd1: {  	[bflag:$0x0] =	sbarrier.arrive $0xFFFF  }
0xd2: {  	_ =	strace $0x90000047  }
0xd3: {  	s0 =	stileid.u32;
	[bflag:$0x2] =	sbarrier.arrive $0xFFFF  }
0xd4: {  	p0 =	sne.s32 s0, $0x0;
	s0 =	rddreg [dreg:$0x2]  }
0xd5: {  	s0 =	sadd.s32 @!p0 $0x100000, s0  }
0xd6: {  	[sflag:s0] =	ssyncadd.tile.s32 @!p0 $0x1;
	_ =	shalt  }
.Lfunc_end2:
_tile_overlayer_lowered:
.L_overlay_start_2:
0xd7: {  	(tag) =	ssettag $0x2  }
0xd8: {  	s0 =	rddreg [dreg:$0x0];
	s2 =	stileid.u32  }
0xd9: {  	s1 =	rddreg [dreg:$0x1];
	p0 =	sne.s32 s2, $0x0  }
0xda: {  	s3 =	rddreg [dreg:$0x2];
	[bflag:$0x3] =	sbarrier.arrive $0xFFFF;
	s2 =	simm.s32 @!p0 $0x1C03  }
0xdb: {  	[timem:s3], [sflag:s2] =	dma.local @!p0 [hbm:s0], s1  }
0xdc: {  	s0 =	simm.s32 @!p0 $0x3  }
0xdd: {  	_ =	swait.ge @!p0 [sflag:s0], s1  }
0xde: {  	s1 =	ssub.s32 @!p0 $0x0, s1;
	[sflag:s0] =	ssyncset.done @!p0 $0x0  }
0xdf: {  	[sflag:s0] =	ssyncadd.s32 @!p0 s1  }
0xe0: {  	[bflag:$0x3] =	sbarrier.arrive $0xFFFF  }
0xe1: {  	_ =	shalt  }

// kernel: kernel.9.cloned.1.call-start
scs
__scs_entry_jumppad:
0x0: {  	(pc) =	sbr.rel $0x88, $3  }
0x1: {  	(tag) =	ssettag $0x0;
	lr =	simm.s32 $0x1  }
0x2: {  	[smem:$0x3F96] =	sst lr;
	_ =	strace $0xD0000000  }
0x3: {  	_ = 	snop  }
0x4: {  	_ = 	snop  }
0x5: {  	_ = 	snop  }
0x6: {  	_ = 	snop  }
0x7: {  	_ = 	snop  }
__scs_overlays_trampoline_lowered:
0x8: {  	[smem:$0x3FA5] =	sst s0  }
0x9: {  	[smem:$0x3FA6] =	sst s1  }
0xa: {  	[smem:$0x3FA7] =	sst s2  }
0xb: {  	[smem:$0x3FA8] =	sst s3  }
0xc: {  	[smem:$0x3FA9] =	sst s4  }
0xd: {  	[smem:$0x3FAA] =	sst s5  }
0xe: {  	[smem:$0x3FAB] =	sst s6  }
0xf: {  	[smem:$0x3FAC] =	sst s7  }
0x10: {  	[smem:$0x3FAD] =	sst s8  }
0x11: {  	[smem:$0x3FAE] =	sst s9;
	s0 =	simm.s32 @!p0 $0x0  }
0x12: {  	s1 =	sld [smem:$0x3F94];
	s0 =	simm.s32 @p0 $0x1  }
0x13: {  	[smem:$0x3FAF] =	sst s0;
	s0 =	simm.s32 @!p1 $0x0  }
0x14: {  	s2 =	sld [smem:$0x3F93];
	s0 =	simm.s32 @p1 $0x1  }
0x15: {  	[smem:$0x3FB0] =	sst s0;
	s0 =	simm.s32 @!p2 $0x0  }
0x16: {  	s3 =	sld [smem:$0x3FDB];
	s0 =	simm.s32 @p2 $0x1  }
0x17: {  	s4 =	simm.s32 $0x1BF5;
	[smem:$0x3FB2] =	sst s0  }
0x18: {  	s0 =	sld [smem:$0x3F95];
	_ =	swait.ge [sflag:s4], $0x0  }
0x19: {  	s7 =	sld [smem:$0x3F96]  }
0x1a: {  	s8 =	sadd.s32 $0xFFFFE003, lr  }
0x1b: {  	s9 =	sadd.s32 $0xFFFFFEF7, lr;
	s5 =	simm.s32 $0xFFFFFFFF;
	p2 =	slt.u32 s8, $0xFFFFF086  }
0x1c: {  	p1 =	slt.u32 s9, $0xF7A;
	s5 =	simm.s32 @!p2 $0x0  }
0x1d: {  	s5 =	simm.s32 @p1 $0x1;
	p0 =	seq.s32 s7, s2  }
0x1e: {  	s7 =	smul.u32 @!p0 $0xF7A, s2;
	p2 =	seq.s32 @!p0 s5, $0x0  }
0x1f: {  	s9 =	smul.u32 $0xF7A, s1;
	s8 =	simm.s32 @!p0 $0x1BF5;
	p2 =	por !p2, p0  }
0x20: {  	[sflag:s8] =	ssyncset.s32 @!p0 $0xFFFFF086;
	s6 =	sadd.s32 @!p0 s3, s7;
	s7 =	simm.s32 @!p0 $0x108  }
0x21: {  	s3 =	sadd.s32 s3, s9;
	s6 =	sadd.s32 @!p0 $0x88, s6;
	s7 =	simm.s32 @p2 $0x1082  }
0x22: {  	[simem:s7], [sflag:s8] =	dma.local @!p0 [hbm:s6], $0xF7A  }
0x23: {  	s9 =	sor.u32 $0xD0000000, s2;
	s6 =	simm.s32 $0x108;
	_ =	swait.ge @!p0 [sflag:s8], $0x0  }
0x24: {  	s3 =	sadd.s32 $0x88, s3;
	s6 =	simm.s32 @!p1 $0x1082;
	[sflag:s4] =	ssyncset.s32 $0xFFFFF086  }
0x25: {  	[simem:s6], [sflag:s4] =	dma.local [hbm:s3], $0xF7A  }
0x26: {  	[smem:$0x3F96] =	sst s1;
	(tag) =	ssettag s2;
	_ =	strace s9  }
0x27: {  	s1 =	sld [smem:$0x3FA6]  }
0x28: {  	s2 =	sld [smem:$0x3FA7]  }
0x29: {  	s4 =	sld [smem:$0x3FA9]  }
0x2a: {  	p0 =	seq.s32 s5, $0x0;
	s5 =	sld [smem:$0x3FAA]  }
0x2b: {  	s6 =	sld [smem:$0x3FAB]  }
0x2c: {  	s7 =	sld [smem:$0x3FAC]  }
0x2d: {  	s3 =	simm.s32 $0x108;
	s8 =	sld [smem:$0x3FAD]  }
0x2e: {  	s3 =	simm.s32 @!p0 $0x1082;
	s9 =	sld [smem:$0x3FAE]  }
0x2f: {  	lr =	sadd.s32 s0, s3;
	s0 =	sld [smem:$0x3FA5]  }
0x30: {  	s3 =	sld [smem:$0x3FA8]  }
0x31: {  	[smem:$0x3FB1] =	sst s10  }
0x32: {  	s10 =	sld [smem:$0x3FAF];
	_ =	sdelay $0x3  }
0x33: {  	p0 =	seq.s32 s10, $0x1;
	s10 =	sld [smem:$0x3FB1];
	_ =	sdelay $0x3  }
0x34: {  	[smem:$0x3FB1] =	sst s10  }
0x35: {  	s10 =	sld [smem:$0x3FB0];
	_ =	sdelay $0x3  }
0x36: {  	p1 =	seq.s32 s10, $0x1;
	s10 =	sld [smem:$0x3FB1];
	_ =	sdelay $0x3  }
0x37: {  	[smem:$0x3FB1] =	sst s10  }
0x38: {  	s10 =	sld [smem:$0x3FB2]  }
0x39: {  	_ = 	snop;
	(pc) =	sbr.ind lr, $3  }
0x3a: {  	_ = 	snop  }
0x3b: {  	_ = 	snop  }
0x3c: {  	p2 =	seq.s32 s10, $0x1;
	s10 =	sld [smem:$0x3FB1]  }
0x3d: {  	_ =	shalt  }
0x3e: {  	_ =	shalt  }
0x3f: {  	_ =	shalt  }
0x40: {  	_ =	shalt  }
0x41: {  	_ =	shalt  }
0x42: {  	_ =	shalt  }
0x43: {  	_ =	shalt  }
0x44: {  	_ =	shalt  }
0x45: {  	_ =	shalt  }
0x46: {  	_ =	shalt  }
0x47: {  	_ =	shalt  }
0x48: {  	_ =	shalt  }
0x49: {  	_ =	shalt  }
0x4a: {  	_ =	shalt  }
0x4b: {  	_ =	shalt  }
0x4c: {  	_ =	shalt  }
0x4d: {  	_ =	shalt  }
0x4e: {  	_ =	shalt  }
0x4f: {  	_ =	shalt  }
0x50: {  	_ =	shalt  }
0x51: {  	_ =	shalt  }
0x52: {  	_ =	shalt  }
0x53: {  	_ =	shalt  }
0x54: {  	_ =	shalt  }
0x55: {  	_ =	shalt  }
0x56: {  	_ =	shalt  }
0x57: {  	_ =	shalt  }
0x58: {  	_ =	shalt  }
0x59: {  	_ =	shalt  }
0x5a: {  	_ =	shalt  }
0x5b: {  	_ =	shalt  }
0x5c: {  	_ =	shalt  }
0x5d: {  	_ =	shalt  }
0x5e: {  	_ =	shalt  }
0x5f: {  	_ =	shalt  }
0x60: {  	_ =	shalt  }
0x61: {  	_ =	shalt  }
0x62: {  	_ =	shalt  }
0x63: {  	_ =	shalt  }
0x64: {  	_ =	shalt  }
0x65: {  	_ =	shalt  }
0x66: {  	_ =	shalt  }
0x67: {  	_ =	shalt  }
0x68: {  	_ =	shalt  }
0x69: {  	_ =	shalt  }
0x6a: {  	_ =	shalt  }
0x6b: {  	_ =	shalt  }
0x6c: {  	_ =	shalt  }
0x6d: {  	_ =	shalt  }
0x6e: {  	_ =	shalt  }
0x6f: {  	_ =	shalt  }
0x70: {  	_ =	shalt  }
0x71: {  	_ =	shalt  }
0x72: {  	_ =	shalt  }
0x73: {  	_ =	shalt  }
0x74: {  	_ =	shalt  }
0x75: {  	_ =	shalt  }
0x76: {  	_ =	shalt  }
0x77: {  	_ =	shalt  }
0x78: {  	_ =	shalt  }
0x79: {  	_ =	shalt  }
0x7a: {  	_ =	shalt  }
0x7b: {  	_ =	shalt  }
0x7c: {  	_ =	shalt  }
0x7d: {  	_ =	shalt  }
0x7e: {  	_ =	shalt  }
0x7f: {  	_ =	shalt  }
0x80: {  	_ =	shalt  }
0x81: {  	_ =	shalt  }
0x82: {  	_ =	shalt  }
0x83: {  	_ =	shalt  }
0x84: {  	_ =	shalt  }
0x85: {  	_ =	shalt  }
0x86: {  	_ =	shalt  }
0x87: {  	_ =	shalt  }
.Lfunc_end0:
.L_simem_size_0:
called_computation.1_lowered:
.L_overlay_start_0:
0x88: {  	s2 =	sld [smem:$0x3FD9]  }
0x89: {  	s3 =	sld [smem:$0x3FFE];
	_ =	sdelay $0x1  }
0x8a: {  	s1 =	srdreg.scid  }
0x8b: {  	s0 =	sand.u32 $0x1, s1  }
0x8c: {  	s14 =	sshll.u32 s0, $0xA;
	s2 =	sadd.s32 s3, s2  }
0x8d: {  	s2 =	sadd.s32 s2, s14  }
0x8e: {  	[smem:$0x3FBD] =	sst s2  }
0x8f: {  	_ = 	snop  }
0x90: {  	s2 =	sld [smem:$0x3FD0];
	_ =	sdelay $0x2  }
0x91: {  	s15 =	simm.s32 $0xA;
	s4 =	simm.s32 $0x10  }
0x92: {  	[smem:s4], [sflag:s15] =	dma.local [hbm:s2], $0x1  }
0x93: {  	_ =	swait.eq [sflag:s15], $0x1  }
0x94: {  	[sflag:s15] =	ssyncset.done $0x0  }
0x95: {  	[sflag:s15] =	ssyncadd.s32 $0xFFFFFFFF  }
0x96: {  	s16 =	sld [smem:$0x10];
	(tm) =	ssettm $0x1  }
0x97: {  	s17 =	sld [smem:$0x3FFB];
	_ =	sdelay $0x3  }
0x98: {  	_ =	strace s17  }
0x99: {  	s3 =	sld [smem:$0x3FFC];
	_ =	sdelay $0x3  }
0x9a: {  	_ =	strace s3  }
0x9b: {  	s3 =	sld [smem:$0x3FFD];
	_ =	sdelay $0x3  }
0x9c: {  	_ =	strace s3  }
0x9d: {  	_ =	strace $0x8FFFFFFF  }
0x9e: {  	s18 =	sld [smem:$0x3FDB];
	_ =	sdelay $0x1  }
0x9f: {  	s19 =	simm.s32 $_scs_section_size  }
0xa0: {  	s5 =	simm.s32 $_size__tile_overlayer_lowered;
	s6 =	simm.s32 $_tile_overlayer_lowered  }
0xa1: {  	s22 =	simm.s32 $0x1BFF;
	s21 =	sshll.u32 s6, $0x1;
	s3 =	sadd.s32 s19, s18  }
0xa2: {  	s7 =	simm.s32 $0x0;
	s20 =	sshll.u32 s5, $0x1;
	s5 =	sadd.s32 s21, s3  }
0xa3: {  	[timem:s7], [sflag:s22] =	dma.local [hbm:s5], s20  }
0xa4: {  	_ =	swait.ge [sflag:s22], s20  }
0xa5: {  	s4 =	ssub.s32 $0x0, s20;
	[sflag:s22] =	ssyncset.done $0x0  }
0xa6: {  	[sflag:s22] =	ssyncadd.s32 s4;
	_ =	sdelay $0x1  }
0xa7: {  	s23 =	simm.s32 $0x1B8B  }
0xa8: {  	_ =	swait.ge [sflag:s23], $0x1  }
0xa9: {  	[sflag:s23] =	ssyncset.done $0x0  }
0xaa: {  	s25 =	simm.s32 $0x1B8E;
	s24 =	sld [smem:$0x3FFE];
	[sflag:s23] =	ssyncadd.s32 $0xFFFFFFFF  }
0xab: {  	s26 =	simm.s32 $execute0_lowered;
	[smem:$0x3FD2] =	sst s25  }
0xac: {  	s5 =	sshll.u32 s26, $0x1;
	_ =	strace $0x80000049;
	[dreg:$0x1] =	wrdreg $0xFFFFFFFF  }
0xad: {  	s28 =	simm.s32 $_size_execute0_lowered;
	s3 =	sadd.s32 s3, s5;
	[dreg:$0x0] =	wrdreg $0x0  }
0xae: {  	s5 =	sshll.u32 s28, $0x1;
	[dreg:$0x2] =	wrdreg s3  }
0xaf: {  	[dreg:$0x3] =	wrdreg s5  }
0xb0: {  	[dreg:$0x4] =	wrdreg $0xC0  }
0xb1: {  	_ =	task [dreg:s7], $0x5FFFF  }
0xb2: {  	[dreg:$0x1] =	wrdreg $0xFFFFFFFF  }
0xb3: {  	[dreg:$0x0] =	wrdreg $0x60  }
0xb4: {  	[dreg:$0x2] =	wrdreg s24  }
0xb5: {  	[dreg:$0x3] =	wrdreg s16  }
0xb6: {  	[dreg:$0x4] =	wrdreg $0x9  }
0xb7: {  	_ =	task.clear_ibuf [dreg:s7], $0x5FFFF;
	_ =	strace $0x90000049  }
0xb8: {  	s29 =	simm.s32 $0x9;
	_ =	strace $0x8000004B  }
0xb9: {  	_ =	swait.ge [sflag:s29], $0x1  }
0xba: {  	[sflag:s29] =	ssyncadd.s32 $0xFFFFFFFF  }
0xbb: {  	_ =	strace $0x9000004B  }
0xbc: {  	_ =	sfence  }
0xbd: {  	s30 =	sld [smem:$0x0];
	_ =	sdelay $0x2  }
0xbe: {  	s31 =	sshll.u32 s1, $0xD;
	s1 =	sshrl.u32 s1, $0x2  }
0xbf: {  	s3 =	sand.u32 $0x4000, s31;
	s1 =	sadd.s32 s1, s30  }
0xc0: {  	s0 =	sor.u32 s3, s0;
	s1 =	sshll.u32 s1, $0x11  }
0xc1: {  	s0 =	sor.u32 s1, s0  }
0xc2: {  	s0 =	sadd.s32 $0x8F2B, s0  }
0xc3: {  	[sflag:s0] =	ssyncadd.remote.s32 $0x1  }
0xc4: {  	_ =	sfence.sel $0xFFFF  }
0xc5: {  	[dreg:$0x0] =	wrdreg $0xFFFFFFFF;
	(pc) =	sbr.abs _section_cstart, $3  }
0xc6: {  	[dreg:$0x1] =	wrdreg $0xFFFFFFFF  }
0xc7: {  	_ =	task.clear_ibuf [dreg:s7], $0x2FFFF;
	_ =	strace $0x9FFFFFFF  }
0xc8: {  	(tm) =	ssettm $0x7FFFFFFF  }
0xc9: {  	_ =	shalt  }
tec
execute0_lowered:
.L_overlay_start_1:
0x0: {  	(tag) =	ssettag $0x1  }
0x1: {  	s1 =	srdreg.scid  }
0x2: {  	s11 =	rddreg [dreg:$0x0];
	s0 =	stileid.u32;
	s16 =	sand.u32 $0x1, s1  }
0x3: {  	s17 =	rddreg [dreg:$0x1];
	s4 =	sshll.u32 s0, $0x3;
	s3 =	sshll.u32 s16, $0x7  }
0x4: {  	s2 =	simm.s32 $0x0;
	s1 =	rddreg [dreg:$0x2];
	s19 =	sor.u32 s4, s3  }
0x5: {  	[smem:$0x7FF] =	sst s2;
	s9 =	sadd.s32 s19, s11  }
0x6: {  	_ =	strace $0x8000004A;
	s3 =	simm.s32 $0x3;
	s4 =	sadd.s32 $0x3200, s9  }
0x7: {  	[tilespmem:s2], [sflag:$0x3] =	stream.linear.gather [hbm4b:s4+s2], $0x40, $0x38;
	[tilespmem:$0x380] =	vst v63  }
0x8: {  	_ =	swait.ge [sflag:s3], $0x40  }
0x9: {  	[sflag:s3] =	ssyncset.done $0x0  }
0xa: {  	s6 =	simm.s32 $0x80;
	s5 =	sadd.s32 $0x3400, s9;
	[sflag:s3] =	ssyncadd.s32 $0xFFFFFFC0  }
0xb: {  	[tilespmem:s6], [sflag:$0x3] =	stream.linear.gather [hbm4b:s5+s2], $0x40, $0x38;
	[tilespmem:$0x380] =	vst v63  }
0xc: {  	_ =	swait.ge [sflag:s3], $0x40  }
0xd: {  	[sflag:s3] =	ssyncset.done $0x0  }
0xe: {  	s8 =	simm.s32 $0x200;
	s7 =	sadd.s32 $0x3600, s9;
	[sflag:s3] =	ssyncadd.s32 $0xFFFFFFC0  }
0xf: {  	[tilespmem:s8], [sflag:$0x3] =	stream.linear.gather [hbm4b:s7+s2], $0x40, $0x38;
	[tilespmem:$0x380] =	vst v63  }
0x10: {  	_ =	swait.ge [sflag:s3], $0x40  }
0x11: {  	[sflag:s3] =	ssyncset.done $0x0  }
0x12: {  	s10 =	simm.s32 $0x280;
	s9 =	sadd.s32 $0x3800, s9;
	[sflag:s3] =	ssyncadd.s32 $0xFFFFFFC0  }
0x13: {  	[tilespmem:s10], [sflag:$0x3] =	stream.linear.gather [hbm4b:s9+s2], $0x40, $0x38;
	[tilespmem:$0x380] =	vst v63  }
0x14: {  	_ =	swait.ge [sflag:s3], $0x40  }
0x15: {  	s12 =	simm.s32 $0x40;
	[sflag:s3] =	ssyncset.done $0x0  }
0x16: {  	s13 =	simm.s32 $0x100;
	s11 =	sadd.s32 $0x3A00, s11;
	[sflag:s3] =	ssyncadd.s32 $0xFFFFFFC0  }
0x17: {  	[tilespmem:s13], [sflag:$0x1] =	stream.indirect.gather [hbm4b:s11+s12], $0x1, s2, s12, $0xb8;
	[tilespmem:$0x380] =	vst v63  }
0x18: {  	s14 =	simm.s32 $0x180;
	s15 =	simm.s32 $0x1  }
0x19: {  	[tilespmem:s14], [sflag:$0x2] =	stream.indirect.gather [hbm4b:s11+s12], $0x1, s6, s12, $0xb8;
	[tilespmem:$0x380] =	vst v63  }
0x1a: {  	_ =	swait.ge [sflag:s15], $0x40  }
0x1b: {  	[sflag:s15] =	ssyncset.done $0x0  }
0x1c: {  	s18 =	simm.s32 $0x2;
	[sflag:s15] =	ssyncadd.s32 $0xFFFFFFC0  }
0x1d: {  	_ =	swait.ge [sflag:s18], $0x40  }
0x1e: {  	[sflag:s18] =	ssyncset.done $0x0  }
0x1f: {  	[sflag:s18] =	ssyncadd.s32 $0xFFFFFFC0  }
0x20: {  	v0 =	vld [tilespmem:$0x1B0]  }
0x21: {  	s16 =	ssub.s32 $0x2, s16;
	v7 =	vld [tilespmem:$0x1A0]  }
0x22: {  	s20 =	sshrl.u32 s16, $0x1;
	v8 =	vld [tilespmem:$0x2A0]  }
0x23: {  	s16 =	ssub.s32 s16, s20;
	v1 =	vld [tilespmem:$0x120]  }
0x24: {  	s20 =	smax.u32 s16, $0x1;
	v3 =	vld [tilespmem:$0x220]  }
0x25: {  	p0 =	sne.s32 s20, $0x1;
	v2 =	vld [tilespmem:$0x110]  }
.Ltmp0:
0x26: {  	v4 =	vld [tilespmem:$0x190];
	(pc) =	sbr.rel @!p0 .LBB2_2-.Ltmp0, $4  }
0x27: {  	v6 =	vld [tilespmem:$0x290]  }
0x28: {  	v5 =	vld [tilespmem:$0x180]  }
0x29: {  	v9 =	vld [tilespmem:$0x210]  }
0x2a: {  	s16 =	sadd.s32 s17, s19;
	s17 =	simm.s32 $0x300;
	s19 =	sadd.s32 $0xFFFFFFFF, s20;
	v7 =	vmul.f32 v7, v8;
	v8 =	vld [tilespmem:$0x100]  }
.LBB2_1:
0x2b: {  	p0 =	sne.s32 s19, $0x1;
	s19 =	sadd.s32 $0xFFFFFFFF, s19;
	v10 =	vld [tilespmem:$0x130]  }
0x2c: {  	v11 =	vld [tilespmem:$0x280]  }
0x2d: {  	v12 =	vld [tilespmem:$0x2B0]  }
0x2e: {  	v13 =	vld [tilespmem:$0x200]  }
0x2f: {  	v1 =	vmul.f32 v1, v3;
	v3 =	vld [tilespmem:$0x230];
	_ =	sdelay $0x1  }
0x30: {  	v4 =	vmul.f32 v4, v6;
	v1 =	vadd.f32 v7, v1;
	v2 =	vmul.f32 v2, v9  }
0x31: {  	v0 =	vmul.f32 v0, v12  }
0x32: {  	v2 =	vadd.f32 v4, v2;
	v5 =	vmul.f32 v5, v11;
	v6 =	vmul.f32 v8, v13;
	[tilespmem:$0x320] =	vst v1  }
0x33: {  	v1 =	vmul.f32 v10, v3  }
0x34: {  	v3 =	vadd.f32 v5, v6;
	[tilespmem:$0x310] =	vst v2  }
0x35: {  	v0 =	vadd.f32 v0, v1  }
0x36: {  	[tilespmem:$0x300] =	vst v3  }
0x37: {  	[tilespmem:$0x330] =	vst v0  }
0x38: {  	[hbm4b:s16+s2] =	stream.linear.scatter [tilespmem:s17], [sflag:$0x3], $0x40, $0x38;
	[tilespmem:$0x380] =	vst v63  }
0x39: {  	_ =	swait.ge [sflag:s3], $0x40  }
0x3a: {  	[sflag:s3] =	ssyncset.done $0x0  }
0x3b: {  	[sflag:s3] =	ssyncadd.s32 $0xFFFFFFC0  }
0x3c: {  	[tilespmem:s2], [sflag:$0x3] =	stream.linear.gather [hbm4b:s4+s2], $0x40, $0x38;
	[tilespmem:$0x380] =	vst v63  }
0x3d: {  	_ =	swait.ge [sflag:s3], $0x40  }
0x3e: {  	[sflag:s3] =	ssyncset.done $0x0  }
0x3f: {  	[sflag:s3] =	ssyncadd.s32 $0xFFFFFFC0  }
0x40: {  	[tilespmem:s6], [sflag:$0x3] =	stream.linear.gather [hbm4b:s5+s2], $0x40, $0x38;
	[tilespmem:$0x380] =	vst v63  }
0x41: {  	_ =	swait.ge [sflag:s3], $0x40  }
0x42: {  	[sflag:s3] =	ssyncset.done $0x0  }
0x43: {  	[sflag:s3] =	ssyncadd.s32 $0xFFFFFFC0  }
0x44: {  	[tilespmem:s8], [sflag:$0x3] =	stream.linear.gather [hbm4b:s7+s2], $0x40, $0x38;
	[tilespmem:$0x380] =	vst v63  }
0x45: {  	_ =	swait.ge [sflag:s3], $0x40  }
0x46: {  	[sflag:s3] =	ssyncset.done $0x0  }
0x47: {  	[sflag:s3] =	ssyncadd.s32 $0xFFFFFFC0  }
0x48: {  	[tilespmem:s10], [sflag:$0x3] =	stream.linear.gather [hbm4b:s9+s2], $0x40, $0x38;
	[tilespmem:$0x380] =	vst v63  }
0x49: {  	_ =	swait.ge [sflag:s3], $0x40  }
0x4a: {  	[sflag:s3] =	ssyncset.done $0x0  }
0x4b: {  	[sflag:s3] =	ssyncadd.s32 $0xFFFFFFC0  }
0x4c: {  	[tilespmem:s13], [sflag:$0x1] =	stream.indirect.gather [hbm4b:s11+s12], $0x1, s2, s12, $0xb8;
	[tilespmem:$0x380] =	vst v63  }
0x4d: {  	_ = 	snop  }
0x4e: {  	[tilespmem:s14], [sflag:$0x2] =	stream.indirect.gather [hbm4b:s11+s12], $0x1, s6, s12, $0xb8;
	[tilespmem:$0x380] =	vst v63  }
0x4f: {  	_ =	swait.ge [sflag:s15], $0x40  }
0x50: {  	[sflag:s15] =	ssyncset.done $0x0  }
0x51: {  	[sflag:s15] =	ssyncadd.s32 $0xFFFFFFC0  }
0x52: {  	_ =	swait.ge [sflag:s18], $0x40  }
0x53: {  	[sflag:s18] =	ssyncset.done $0x0  }
0x54: {  	[sflag:s18] =	ssyncadd.s32 $0xFFFFFFC0  }
0x55: {  	v0 =	vld [tilespmem:$0x1B0]  }
0x56: {  	v5 =	vld [tilespmem:$0x1A0]  }
0x57: {  	v7 =	vld [tilespmem:$0x2A0]  }
0x58: {  	v1 =	vld [tilespmem:$0x120]  }
0x59: {  	v3 =	vld [tilespmem:$0x220]  }
0x5a: {  	v2 =	vld [tilespmem:$0x110]  }
.Ltmp1:
0x5b: {  	v4 =	vld [tilespmem:$0x190];
	(pc) =	sbr.rel @p0 .LBB2_1-.Ltmp1, $4  }
0x5c: {  	v6 =	vld [tilespmem:$0x290];
	v7 =	vmul.f32 v5, v7  }
0x5d: {  	v5 =	vld [tilespmem:$0x180]  }
0x5e: {  	v9 =	vld [tilespmem:$0x210]  }
0x5f: {  	v8 =	vld [tilespmem:$0x100]  }
.LBB2_2:
0x60: {  	v10 =	vld [tilespmem:$0x130]  }
0x61: {  	v11 =	vld [tilespmem:$0x280]  }
0x62: {  	v12 =	vld [tilespmem:$0x2B0]  }
0x63: {  	v13 =	vld [tilespmem:$0x200]  }
0x64: {  	v14 =	vld [tilespmem:$0x230];
	_ =	sdelay $0x1  }
0x65: {  	v1 =	vmul.f32 v1, v3  }
0x66: {  	v60 =	vmul.f32 v4, v6;
	v2 =	vmul.f32 v2, v9  }
0x67: {  	v1 =	vadd.f32 v7, v1;
	v61 =	vmul.f32 v8, v13;
	v5 =	vmul.f32 v5, v11  }
0x68: {  	v0 =	vmul.f32 v0, v12;
	v2 =	vadd.f32 v60, v2;
	v62 =	vmul.f32 v10, v14  }
0x69: {  	[tilespmem:$0x320] =	vst v1;
	v63 =	vadd.f32 v5, v61  }
0x6a: {  	[tilespmem:$0x310] =	vst v2;
	v0 =	vadd.f32 v0, v62  }
0x6b: {  	[tilespmem:$0x300] =	vst v63  }
0x6c: {  	[tilespmem:$0x330] =	vst v0  }
0x6d: {  	[hbm4b:s16+s2] =	stream.linear.scatter [tilespmem:s17], [sflag:$0x3], $0x40, $0x38;
	[tilespmem:$0x380] =	vst v63  }
0x6e: {  	_ =	swait.ge [sflag:s3], $0x40  }
0x6f: {  	[sflag:s3] =	ssyncset.done $0x0  }
0x70: {  	[sflag:s3] =	ssyncadd.s32 $0xFFFFFFC0  }
0x71: {  	_ =	sfence.sel $0x180000  }
0x72: {  	[bflag:$0x0] =	sbarrier.arrive $0xFFFF  }
0x73: {  	p0 =	sne.s32 s0, $0x0;
	_ =	strace $0x9000004A  }
0x74: {  	s0 =	sadd.s32 @!p0 $0x100000, s1;
	[bflag:$0x2] =	sbarrier.arrive $0xFFFF  }
0x75: {  	[sflag:s0] =	ssyncadd.tile.s32 @!p0 $0x1;
	_ =	shalt  }
.Lfunc_end2:
_tile_overlayer_lowered:
.L_overlay_start_2:
0x76: {  	(tag) =	ssettag $0x2  }
0x77: {  	s0 =	rddreg [dreg:$0x0];
	s2 =	stileid.u32  }
0x78: {  	s1 =	rddreg [dreg:$0x1];
	p0 =	sne.s32 s2, $0x0  }
0x79: {  	s3 =	rddreg [dreg:$0x2];
	[bflag:$0x3] =	sbarrier.arrive $0xFFFF;
	s2 =	simm.s32 @!p0 $0x1C03  }
0x7a: {  	[timem:s3], [sflag:s2] =	dma.local @!p0 [hbm:s0], s1  }
0x7b: {  	s0 =	simm.s32 @!p0 $0x3  }
0x7c: {  	_ =	swait.ge @!p0 [sflag:s0], s1  }
0x7d: {  	s1 =	ssub.s32 @!p0 $0x0, s1;
	[sflag:s0] =	ssyncset.done @!p0 $0x0  }
0x7e: {  	[sflag:s0] =	ssyncadd.s32 @!p0 s1  }
0x7f: {  	[bflag:$0x3] =	sbarrier.arrive $0xFFFF  }
0x80: {  	_ =	shalt  }

</sc_bundles>
